<compile_context>
chip_gen: v7x
topology: tpu7x:2x2x1
jax: 0.10.2.dev20260603
libtpu: 0.0.44.dev20260713+nightly
codegen_flags: <defaults>
</compile_context>

<pallas_src>
import functools

import jax
import jax.numpy as jnp
from jax import lax
from jax.experimental import pallas as pl
from jax.experimental.pallas import tpu as pltpu
from jax.experimental.pallas import tpu_sc as plsc

N = 10000
NP = 10240
D = 128
NRL = 4
E = 320000
NC = 2
NS = 16
NW = NC * NS
B = 128
CHS = 80
NROWS = NW * CHS
EPAD = NROWS * B
RPT = NP // NS
RB = 1024
GRID = NP // RB


def _seg_body(with_cnt, *refs):
    if with_cnt:
        (table, gidx, dst, zrow, zcnt, p_out, cnt_out,
         gidx_v, dst_v, rows_v, zvec, acc_sh, sem, ones_v, cnt_sh) = refs
    else:
        (table, gidx, dst, zrow, zcnt, p_out,
         gidx_v, dst_v, rows_v, zvec, acc_sh, sem) = refs
    c = lax.axis_index("c")
    s = lax.axis_index("s")
    base = (c * NS + s) * CHS

    pltpu.sync_copy(zrow, rows_v)
    pltpu.sync_copy(zcnt, zvec)
    for k in range(RPT // B):
        pltpu.sync_copy(rows_v, acc_sh.at[pl.ds(s * RPT + k * B, B)])
    pltpu.sync_copy(gidx.at[pl.ds(base, CHS)], gidx_v)
    pltpu.sync_copy(dst.at[pl.ds(base, CHS)], dst_v)
    if with_cnt:
        for k in range(RPT // B):
            pltpu.sync_copy(zvec, cnt_sh.at[pl.ds(s * RPT + k * B, B)])
        for k in range(B // 16):
            ones_v[pl.ds(k * 16, 16)] = jnp.ones((16,), jnp.float32)
    plsc.subcore_barrier()

    def chunk(q, carry):
        pltpu.async_copy(table.at[gidx_v.at[q]], rows_v, sem).wait()
        pltpu.sync_copy(rows_v, acc_sh.at[dst_v.at[q]], add=True)
        if with_cnt:
            pltpu.sync_copy(ones_v, cnt_sh.at[dst_v.at[q]], add=True)
        return carry

    lax.fori_loop(0, CHS, chunk, 0)
    plsc.subcore_barrier()

    base = c * NP + s * RPT
    pltpu.sync_copy(acc_sh.at[pl.ds(s * RPT, RPT)], p_out.at[pl.ds(base, RPT)])
    if with_cnt:
        pltpu.sync_copy(cnt_sh.at[pl.ds(s * RPT, RPT)],
                        cnt_out.at[pl.ds(base, RPT)])


def _make_seg(with_cnt):
    outs = [jax.ShapeDtypeStruct((NC * NP, D), jnp.float32)]
    scratch = [
        pltpu.VMEM((CHS, B), jnp.int32),
        pltpu.VMEM((CHS, B), jnp.int32),
        pltpu.VMEM((B, D), jnp.float32),
        pltpu.VMEM((B,), jnp.float32),
        pltpu.VMEM_SHARED((NP, D), jnp.float32),
        pltpu.SemaphoreType.DMA,
    ]
    if with_cnt:
        outs.append(jax.ShapeDtypeStruct((NC * NP,), jnp.float32))
        scratch += [
            pltpu.VMEM((B,), jnp.float32),
            pltpu.VMEM_SHARED((NP,), jnp.float32),
        ]
    mesh = plsc.VectorSubcoreMesh(core_axis_name="c", subcore_axis_name="s",
                                  num_cores=NC, num_subcores=NS)
    return pl.kernel(functools.partial(_seg_body, with_cnt),
                     out_type=outs, mesh=mesh, scratch_types=scratch)


@functools.lru_cache(maxsize=None)
def _get_seg(with_cnt):
    return _make_seg(with_cnt)


def _seg_cnt(table, gidx3, dst3, zrow, zcnt):
    return _get_seg(True)(table, gidx3, dst3, zrow, zcnt)


def _seg(table, gidx3, dst3, zrow, zcnt):
    return _get_seg(False)(table, gidx3, dst3, zrow, zcnt)[0]


def _gidx_body(t_ref, s_ref, o_ref):
    o_ref[...] = t_ref[...] * NP + s_ref[...]


_k_gidx = pl.pallas_call(
    _gidx_body,
    out_shape=jax.ShapeDtypeStruct((NROWS, B), jnp.int32),
)


def _transform_body(x_ref, w_ref, o_ref):
    o_ref[0] = jnp.dot(x_ref[...], w_ref[0],
                       preferred_element_type=jnp.float32)


_k_transform = pl.pallas_call(
    _transform_body,
    grid=(NRL + 1, GRID),
    in_specs=[
        pl.BlockSpec((RB, D), lambda r, j: (j, 0)),
        pl.BlockSpec((1, D, D), lambda r, j: (r, 0, 0)),
    ],
    out_specs=pl.BlockSpec((1, RB, D), lambda r, j: (r, j, 0)),
    out_shape=jax.ShapeDtypeStruct((NRL + 1, NP, D), jnp.float32),
)


def _invdeg_body(c_ref, o_ref):
    d = c_ref[0, :] + c_ref[1, :]
    o_ref[0, :] = 1.0 / jnp.maximum(d, 1.0)


_k_invdeg = pl.pallas_call(
    _invdeg_body,
    out_shape=jax.ShapeDtypeStruct((1, NP), jnp.float32),
)


def _postr_body(y_ref, p0_ref, p1_ref, i_ref, o_ref):
    o_ref[...] = jnp.maximum(
        (y_ref[0] + p0_ref[...] + p1_ref[...]) * i_ref[...], 0.0)


_k_post_rgcn = pl.pallas_call(
    _postr_body,
    grid=(GRID,),
    in_specs=[
        pl.BlockSpec((1, RB, D), lambda j: (NRL, j, 0)),
        pl.BlockSpec((RB, D), lambda j: (j, 0)),
        pl.BlockSpec((RB, D), lambda j: (j + GRID, 0)),
        pl.BlockSpec((RB, 1), lambda j: (j, 0)),
    ],
    out_specs=pl.BlockSpec((RB, D), lambda j: (j, 0)),
    out_shape=jax.ShapeDtypeStruct((NP, D), jnp.float32),
)


def _postge_body(h_ref, p0_ref, p1_ref, i_ref, pw_ref, pb_ref, a_ref, o_ref):
    agg = (p0_ref[...] + p1_ref[...]) * i_ref[...]
    v = lax.dot_general(agg, pw_ref[...], (((1,), (1,)), ((), ())),
                        preferred_element_type=jnp.float32)
    o_ref[...] = h_ref[...] + a_ref[...] * (v + pb_ref[...])


_k_post_ge = pl.pallas_call(
    _postge_body,
    grid=(GRID,),
    in_specs=[
        pl.BlockSpec((RB, D), lambda j: (j, 0)),
        pl.BlockSpec((RB, D), lambda j: (j, 0)),
        pl.BlockSpec((RB, D), lambda j: (j + GRID, 0)),
        pl.BlockSpec((RB, 1), lambda j: (j, 0)),
        pl.BlockSpec((D, D), lambda j: (0, 0)),
        pl.BlockSpec((1, D), lambda j: (0, 0)),
        pl.BlockSpec((1, 1), lambda j: (0, 0)),
    ],
    out_specs=pl.BlockSpec((RB, D), lambda j: (j, 0)),
    out_shape=jax.ShapeDtypeStruct((NP, D), jnp.float32),
)


def _final_body(h_ref, w_ref, b_ref, o_ref):
    o_ref[...] = lax.dot_general(
        h_ref[...], w_ref[...], (((1,), (1,)), ((), ())),
        preferred_element_type=jnp.float32) + b_ref[...]


_k_final = pl.pallas_call(
    _final_body,
    grid=(GRID,),
    in_specs=[
        pl.BlockSpec((RB, D), lambda j: (j, 0)),
        pl.BlockSpec((D, D), lambda j: (0, 0)),
        pl.BlockSpec((1, D), lambda j: (0, 0)),
    ],
    out_specs=pl.BlockSpec((RB, D), lambda j: (j, 0)),
    out_shape=jax.ShapeDtypeStruct((NP, D), jnp.float32),
)


def kernel(x, edge_index, edge_type, W1_rel, W1_root, alpha1, proj1_w,
           proj1_b, W2_rel, W2_root, alpha2, proj2_w, proj2_b, out_w, out_b):
    f32 = jnp.float32
    src = edge_index[0].astype(jnp.int32)
    dst = edge_index[1].astype(jnp.int32)
    typ = edge_type.astype(jnp.int32)
    pad = EPAD - src.shape[0]
    src2 = jnp.pad(src, (0, pad)).reshape(NROWS, B)
    dst2 = jnp.pad(dst, (0, pad), constant_values=N + 100).reshape(NROWS, B)
    typ2 = jnp.pad(typ, (0, pad)).reshape(NROWS, B)

    gidx3 = _k_gidx(typ2, src2)
    src3 = src2
    dst3 = dst2

    x_pad = jnp.pad(x, ((0, NP - N), (0, 0)))
    zrow = jnp.zeros((B, D), f32)
    zcnt = jnp.zeros((B,), f32)

    wcat1 = jnp.concatenate([W1_rel, W1_root[None]], axis=0)
    wcat2 = jnp.concatenate([W2_rel, W2_root[None]], axis=0)
    pb1 = proj1_b.reshape(1, D)
    pb2 = proj2_b.reshape(1, D)
    ob = out_b.reshape(1, D)
    a1 = jnp.asarray(alpha1, f32).reshape(1, 1)
    a2 = jnp.asarray(alpha2, f32).reshape(1, 1)

    y1 = _k_transform(x_pad, wcat1)
    p1, cnt = _seg_cnt(y1.reshape((NRL + 1) * NP, D), gidx3, dst3, zrow, zcnt)
    inv = _k_invdeg(cnt.reshape(NC, NP)).reshape(NP, 1)
    h = _k_post_rgcn(y1, p1, p1, inv)
    p2 = _seg(h, src3, dst3, zrow, zcnt)
    h = _k_post_ge(h, p2, p2, inv, proj1_w, pb1, a1)
    y2 = _k_transform(h, wcat2)
    p3 = _seg(y2.reshape((NRL + 1) * NP, D), gidx3, dst3, zrow, zcnt)
    h = _k_post_rgcn(y2, p3, p3, inv)
    p4 = _seg(h, src3, dst3, zrow, zcnt)
    h = _k_post_ge(h, p4, p4, inv, proj2_w, pb2, a2)

    out = _k_final(h, out_w, ob)
    return out[:N]

# --- scband reference (transcript-rebuilt; emitter-appended) ---
"""Pipeline reference for scband-mr-gnn-76690936037562 (READ-ONLY COPY).

The authoritative reference and input builder live on the scoring server;
editing this copy changes nothing except your own understanding.
"""

import jax, jax.numpy as jnp
import numpy as np

NUM_NODES = 10000
NUM_EDGES = 320000
IN_DIM = 128
HIDDEN_DIM = 128
OUT_DIM = 128
NUM_RELATIONS = 4


def setup_inputs(seed: int = 0) -> dict:
    key = jax.random.key(seed)
    ks = jax.random.split(key, 16)
    x = jax.random.normal(ks[0], (NUM_NODES, IN_DIM), dtype=jnp.float32)
    edge_index = jax.random.randint(ks[1], (2, NUM_EDGES), 0, NUM_NODES, dtype=jnp.int64)
    edge_type = jax.random.randint(ks[2], (NUM_EDGES,), 0, NUM_RELATIONS, dtype=jnp.int64)
    W1_rel = jax.random.normal(ks[3], (NUM_RELATIONS, IN_DIM, HIDDEN_DIM), dtype=jnp.float32) * 0.02
    W1_root = jax.random.normal(ks[4], (IN_DIM, HIDDEN_DIM), dtype=jnp.float32) * 0.02
    alpha1 = jnp.float32(0.5)
    proj1_w = jax.random.normal(ks[5], (HIDDEN_DIM, HIDDEN_DIM), dtype=jnp.float32) * 0.02
    proj1_b = jnp.zeros((HIDDEN_DIM,), dtype=jnp.float32)
    W2_rel = jax.random.normal(ks[6], (NUM_RELATIONS, HIDDEN_DIM, HIDDEN_DIM), dtype=jnp.float32) * 0.02
    W2_root = jax.random.normal(ks[7], (HIDDEN_DIM, HIDDEN_DIM), dtype=jnp.float32) * 0.02
    alpha2 = jnp.float32(0.5)
    proj2_w = jax.random.normal(ks[8], (HIDDEN_DIM, HIDDEN_DIM), dtype=jnp.float32) * 0.02
    proj2_b = jnp.zeros((HIDDEN_DIM,), dtype=jnp.float32)
    out_w = jax.random.normal(ks[9], (OUT_DIM, HIDDEN_DIM), dtype=jnp.float32) * 0.02
    out_b = jnp.zeros((OUT_DIM,), dtype=jnp.float32)
    return {"x": x, "edge_index": edge_index, "edge_type": edge_type,
            "W1_rel": W1_rel, "W1_root": W1_root, "alpha1": alpha1,
            "proj1_w": proj1_w, "proj1_b": proj1_b,
            "W2_rel": W2_rel, "W2_root": W2_root, "alpha2": alpha2,
            "proj2_w": proj2_w, "proj2_b": proj2_b,
            "out_w": out_w, "out_b": out_b}


def _rgcn(x, edge_index, edge_type, W_rel, W_root, num_nodes, num_relations):
    src = edge_index[0]
    dst = edge_index[1]
    out = x @ W_root
    acc = jnp.zeros((num_nodes, W_rel.shape[-1]), dtype=x.dtype)
    for r in range(num_relations):
        mask = (edge_type == r).astype(x.dtype)
        msg = (x[src] @ W_rel[r]) * mask[:, None]
        acc = acc.at[dst].add(msg)
    out = out + acc
    deg = jnp.zeros((num_nodes,), dtype=x.dtype).at[dst].add(jnp.ones((dst.shape[0],), dtype=x.dtype))
    deg = jnp.clip(deg, 1.0, None)
    return out / deg[:, None]


def _group_enhance(x, edge_index, alpha, proj_w, proj_b, num_nodes):
    src = edge_index[0]
    dst = edge_index[1]
    agg = jnp.zeros_like(x).at[dst].add(x[src])
    deg = jnp.zeros((num_nodes,), dtype=x.dtype).at[dst].add(jnp.ones((dst.shape[0],), dtype=x.dtype))
    deg = jnp.clip(deg, 1.0, None)
    agg = agg / deg[:, None]
    return x + alpha * (agg @ proj_w.T + proj_b)


def reference(x, edge_index, edge_type, W1_rel, W1_root, alpha1, proj1_w, proj1_b,
              W2_rel, W2_root, alpha2, proj2_w, proj2_b, out_w, out_b):
    num_nodes = x.shape[0]
    h = jax.nn.relu(_rgcn(x, edge_index, edge_type, W1_rel, W1_root, num_nodes, NUM_RELATIONS))
    h = _group_enhance(h, edge_index, alpha1, proj1_w, proj1_b, num_nodes)
    h = jax.nn.relu(_rgcn(h, edge_index, edge_type, W2_rel, W2_root, num_nodes, NUM_RELATIONS))
    h = _group_enhance(h, edge_index, alpha2, proj2_w, proj2_b, num_nodes)
    return h @ out_w.T + out_b

if __name__ == "__main__":
    import jax
    _d = setup_inputs()
    print(jax.jit(kernel)(*tuple(_d.values())))

</pallas_src>

<mosaic_0001>
#map = affine_map<(d0, d1) -> (0, 0)>
#map1 = affine_map<(d0, d1) -> (0)>
module attributes {stable_mosaic.version = 14 : i64} {
  func.func @_seg_body(%arg0: i32, %arg1: i32, %arg2: memref<10240x128xf32, #tpu.memory_space<hbm>>, %arg3: memref<2560x128xi32, #tpu.memory_space<hbm>>, %arg4: memref<2560x128xi32, #tpu.memory_space<hbm>>, %arg5: memref<128x128xf32, #tpu.memory_space<hbm>>, %arg6: memref<128xf32, #tpu.memory_space<hbm>>, %arg7: memref<20480x128xf32, #tpu.memory_space<hbm>>, %arg8: memref<80x128xi32, #tpu.memory_space<vmem>>, %arg9: memref<80x128xi32, #tpu.memory_space<vmem>>, %arg10: memref<128x128xf32, #tpu.memory_space<vmem>>, %arg11: memref<128xf32, #tpu.memory_space<vmem>>, %arg12: memref<10240x128xf32, #tpu.memory_space<vmem_shared>>, %arg13: memref<!tpu.dma_semaphore, #tpu.memory_space<semaphore_mem>>) attributes {dimension_semantics = [#tpu.dimension_semantics<core_parallel>, #tpu.dimension_semantics<subcore_parallel>], iteration_bounds = array<i64: 2, 16>, scalar_prefetch = 0 : i64, scratch_operands = 6 : i64, tpu.core_type = #tpu.core_type<sc_vector_subcore>, window_params = [{transform_indices = #map}, {transform_indices = #map}, {transform_indices = #map}, {transform_indices = #map}, {transform_indices = #map1}, {transform_indices = #map}]} {
    %mul3A = arith.constant 16 : i32
    %mul3A_0 = arith.muli %arg0, %mul3A : i32
    %add3A = arith.addi %mul3A_0, %arg1 : i32
    %mul3A_1 = arith.constant 80 : i32
    %mul3A_2 = arith.muli %add3A, %mul3A_1 : i32
    "tpu.region"() ({
      %run_scoped3A = tpu.sem_alloc : memref<!tpu.dma_semaphore, #tpu.memory_space<semaphore_mem>>
      tpu.enqueue_dma source(%arg5 : memref<128x128xf32, #tpu.memory_space<hbm>>) target(%arg10 : memref<128x128xf32, #tpu.memory_space<vmem>>) target_semaphore(%run_scoped3A : memref<!tpu.dma_semaphore, #tpu.memory_space<semaphore_mem>>)
      tpu.wait_dma2 semaphore(%run_scoped3A : memref<!tpu.dma_semaphore, #tpu.memory_space<semaphore_mem>>) src(%arg5 : memref<128x128xf32, #tpu.memory_space<hbm>>) dst(%arg10 : memref<128x128xf32, #tpu.memory_space<vmem>>)
      tpu.yield
    }) : () -> ()
    "tpu.region"() ({
      %run_scoped3A = tpu.sem_alloc : memref<!tpu.dma_semaphore, #tpu.memory_space<semaphore_mem>>
      tpu.enqueue_dma source(%arg6 : memref<128xf32, #tpu.memory_space<hbm>>) target(%arg11 : memref<128xf32, #tpu.memory_space<vmem>>) target_semaphore(%run_scoped3A : memref<!tpu.dma_semaphore, #tpu.memory_space<semaphore_mem>>)
      tpu.wait_dma2 semaphore(%run_scoped3A : memref<!tpu.dma_semaphore, #tpu.memory_space<semaphore_mem>>) src(%arg6 : memref<128xf32, #tpu.memory_space<hbm>>) dst(%arg11 : memref<128xf32, #tpu.memory_space<vmem>>)
      tpu.yield
    }) : () -> ()
    %mul3A_3 = arith.constant 640 : i32
    %mul3A_4 = arith.muli %arg1, %mul3A_3 : i32
    %add3A_5 = arith.constant 0 : i32
    %add3A_6 = arith.addi %mul3A_4, %add3A_5 : i32
    "tpu.region"() ({
      %run_scoped3A = tpu.sem_alloc : memref<!tpu.dma_semaphore, #tpu.memory_space<semaphore_mem>>
      %dma_start3A = arith.constant 0 : i32
      %dma_start3A_36 = tpu.memref_slice %arg12[%add3A_6, %dma_start3A] : memref<10240x128xf32, #tpu.memory_space<vmem_shared>> -> memref<128x128xf32, #tpu.memory_space<vmem_shared>>
      %dma_start3A_37 = arith.constant 0 : i32
      %dma_start3A_38 = tpu.memref_slice %arg12[%add3A_6, %dma_start3A_37] : memref<10240x128xf32, #tpu.memory_space<vmem_shared>> -> memref<128x128xf32, #tpu.memory_space<vmem_shared>>
      tpu.enqueue_dma source(%arg10 : memref<128x128xf32, #tpu.memory_space<vmem>>) target(%dma_start3A_38 : memref<128x128xf32, #tpu.memory_space<vmem_shared>>) target_semaphore(%run_scoped3A : memref<!tpu.dma_semaphore, #tpu.memory_space<semaphore_mem>>)
      %dma_wait3A = arith.constant 0 : i32
      %dma_wait3A_39 = tpu.memref_slice %arg12[%add3A_6, %dma_wait3A] : memref<10240x128xf32, #tpu.memory_space<vmem_shared>> -> memref<128x128xf32, #tpu.memory_space<vmem_shared>>
      %dma_wait3A_40 = arith.constant 0 : i32
      %dma_wait3A_41 = tpu.memref_slice %arg12[%add3A_6, %dma_wait3A_40] : memref<10240x128xf32, #tpu.memory_space<vmem_shared>> -> memref<128x128xf32, #tpu.memory_space<vmem_shared>>
      tpu.wait_dma2 semaphore(%run_scoped3A : memref<!tpu.dma_semaphore, #tpu.memory_space<semaphore_mem>>) src(%arg10 : memref<128x128xf32, #tpu.memory_space<vmem>>) dst(%dma_wait3A_41 : memref<128x128xf32, #tpu.memory_space<vmem_shared>>)
      tpu.yield
    }) : () -> ()
    %mul3A_7 = arith.constant 640 : i32
    %mul3A_8 = arith.muli %arg1, %mul3A_7 : i32
    %add3A_9 = arith.constant 128 : i32
    %add3A_10 = arith.addi %mul3A_8, %add3A_9 : i32
    "tpu.region"() ({
      %run_scoped3A = tpu.sem_alloc : memref<!tpu.dma_semaphore, #tpu.memory_space<semaphore_mem>>
      %dma_start3A = arith.constant 0 : i32
      %dma_start3A_36 = tpu.memref_slice %arg12[%add3A_10, %dma_start3A] : memref<10240x128xf32, #tpu.memory_space<vmem_shared>> -> memref<128x128xf32, #tpu.memory_space<vmem_shared>>
      %dma_start3A_37 = arith.constant 0 : i32
      %dma_start3A_38 = tpu.memref_slice %arg12[%add3A_10, %dma_start3A_37] : memref<10240x128xf32, #tpu.memory_space<vmem_shared>> -> memref<128x128xf32, #tpu.memory_space<vmem_shared>>
      tpu.enqueue_dma source(%arg10 : memref<128x128xf32, #tpu.memory_space<vmem>>) target(%dma_start3A_38 : memref<128x128xf32, #tpu.memory_space<vmem_shared>>) target_semaphore(%run_scoped3A : memref<!tpu.dma_semaphore, #tpu.memory_space<semaphore_mem>>)
      %dma_wait3A = arith.constant 0 : i32
      %dma_wait3A_39 = tpu.memref_slice %arg12[%add3A_10, %dma_wait3A] : memref<10240x128xf32, #tpu.memory_space<vmem_shared>> -> memref<128x128xf32, #tpu.memory_space<vmem_shared>>
      %dma_wait3A_40 = arith.constant 0 : i32
      %dma_wait3A_41 = tpu.memref_slice %arg12[%add3A_10, %dma_wait3A_40] : memref<10240x128xf32, #tpu.memory_space<vmem_shared>> -> memref<128x128xf32, #tpu.memory_space<vmem_shared>>
      tpu.wait_dma2 semaphore(%run_scoped3A : memref<!tpu.dma_semaphore, #tpu.memory_space<semaphore_mem>>) src(%arg10 : memref<128x128xf32, #tpu.memory_space<vmem>>) dst(%dma_wait3A_41 : memref<128x128xf32, #tpu.memory_space<vmem_shared>>)
      tpu.yield
    }) : () -> ()
    %mul3A_11 = arith.constant 640 : i32
    %mul3A_12 = arith.muli %arg1, %mul3A_11 : i32
    %add3A_13 = arith.constant 256 : i32
    %add3A_14 = arith.addi %mul3A_12, %add3A_13 : i32
    "tpu.region"() ({
      %run_scoped3A = tpu.sem_alloc : memref<!tpu.dma_semaphore, #tpu.memory_space<semaphore_mem>>
      %dma_start3A = arith.constant 0 : i32
      %dma_start3A_36 = tpu.memref_slice %arg12[%add3A_14, %dma_start3A] : memref<10240x128xf32, #tpu.memory_space<vmem_shared>> -> memref<128x128xf32, #tpu.memory_space<vmem_shared>>
      %dma_start3A_37 = arith.constant 0 : i32
      %dma_start3A_38 = tpu.memref_slice %arg12[%add3A_14, %dma_start3A_37] : memref<10240x128xf32, #tpu.memory_space<vmem_shared>> -> memref<128x128xf32, #tpu.memory_space<vmem_shared>>
      tpu.enqueue_dma source(%arg10 : memref<128x128xf32, #tpu.memory_space<vmem>>) target(%dma_start3A_38 : memref<128x128xf32, #tpu.memory_space<vmem_shared>>) target_semaphore(%run_scoped3A : memref<!tpu.dma_semaphore, #tpu.memory_space<semaphore_mem>>)
      %dma_wait3A = arith.constant 0 : i32
      %dma_wait3A_39 = tpu.memref_slice %arg12[%add3A_14, %dma_wait3A] : memref<10240x128xf32, #tpu.memory_space<vmem_shared>> -> memref<128x128xf32, #tpu.memory_space<vmem_shared>>
      %dma_wait3A_40 = arith.constant 0 : i32
      %dma_wait3A_41 = tpu.memref_slice %arg12[%add3A_14, %dma_wait3A_40] : memref<10240x128xf32, #tpu.memory_space<vmem_shared>> -> memref<128x128xf32, #tpu.memory_space<vmem_shared>>
      tpu.wait_dma2 semaphore(%run_scoped3A : memref<!tpu.dma_semaphore, #tpu.memory_space<semaphore_mem>>) src(%arg10 : memref<128x128xf32, #tpu.memory_space<vmem>>) dst(%dma_wait3A_41 : memref<128x128xf32, #tpu.memory_space<vmem_shared>>)
      tpu.yield
    }) : () -> ()
    %mul3A_15 = arith.constant 640 : i32
    %mul3A_16 = arith.muli %arg1, %mul3A_15 : i32
    %add3A_17 = arith.constant 384 : i32
    %add3A_18 = arith.addi %mul3A_16, %add3A_17 : i32
    "tpu.region"() ({
      %run_scoped3A = tpu.sem_alloc : memref<!tpu.dma_semaphore, #tpu.memory_space<semaphore_mem>>
      %dma_start3A = arith.constant 0 : i32
      %dma_start3A_36 = tpu.memref_slice %arg12[%add3A_18, %dma_start3A] : memref<10240x128xf32, #tpu.memory_space<vmem_shared>> -> memref<128x128xf32, #tpu.memory_space<vmem_shared>>
      %dma_start3A_37 = arith.constant 0 : i32
      %dma_start3A_38 = tpu.memref_slice %arg12[%add3A_18, %dma_start3A_37] : memref<10240x128xf32, #tpu.memory_space<vmem_shared>> -> memref<128x128xf32, #tpu.memory_space<vmem_shared>>
      tpu.enqueue_dma source(%arg10 : memref<128x128xf32, #tpu.memory_space<vmem>>) target(%dma_start3A_38 : memref<128x128xf32, #tpu.memory_space<vmem_shared>>) target_semaphore(%run_scoped3A : memref<!tpu.dma_semaphore, #tpu.memory_space<semaphore_mem>>)
      %dma_wait3A = arith.constant 0 : i32
      %dma_wait3A_39 = tpu.memref_slice %arg12[%add3A_18, %dma_wait3A] : memref<10240x128xf32, #tpu.memory_space<vmem_shared>> -> memref<128x128xf32, #tpu.memory_space<vmem_shared>>
      %dma_wait3A_40 = arith.constant 0 : i32
      %dma_wait3A_41 = tpu.memref_slice %arg12[%add3A_18, %dma_wait3A_40] : memref<10240x128xf32, #tpu.memory_space<vmem_shared>> -> memref<128x128xf32, #tpu.memory_space<vmem_shared>>
      tpu.wait_dma2 semaphore(%run_scoped3A : memref<!tpu.dma_semaphore, #tpu.memory_space<semaphore_mem>>) src(%arg10 : memref<128x128xf32, #tpu.memory_space<vmem>>) dst(%dma_wait3A_41 : memref<128x128xf32, #tpu.memory_space<vmem_shared>>)
      tpu.yield
    }) : () -> ()
    %mul3A_19 = arith.constant 640 : i32
    %mul3A_20 = arith.muli %arg1, %mul3A_19 : i32
    %add3A_21 = arith.constant 512 : i32
    %add3A_22 = arith.addi %mul3A_20, %add3A_21 : i32
    "tpu.region"() ({
      %run_scoped3A = tpu.sem_alloc : memref<!tpu.dma_semaphore, #tpu.memory_space<semaphore_mem>>
      %dma_start3A = arith.constant 0 : i32
      %dma_start3A_36 = tpu.memref_slice %arg12[%add3A_22, %dma_start3A] : memref<10240x128xf32, #tpu.memory_space<vmem_shared>> -> memref<128x128xf32, #tpu.memory_space<vmem_shared>>
      %dma_start3A_37 = arith.constant 0 : i32
      %dma_start3A_38 = tpu.memref_slice %arg12[%add3A_22, %dma_start3A_37] : memref<10240x128xf32, #tpu.memory_space<vmem_shared>> -> memref<128x128xf32, #tpu.memory_space<vmem_shared>>
      tpu.enqueue_dma source(%arg10 : memref<128x128xf32, #tpu.memory_space<vmem>>) target(%dma_start3A_38 : memref<128x128xf32, #tpu.memory_space<vmem_shared>>) target_semaphore(%run_scoped3A : memref<!tpu.dma_semaphore, #tpu.memory_space<semaphore_mem>>)
      %dma_wait3A = arith.constant 0 : i32
      %dma_wait3A_39 = tpu.memref_slice %arg12[%add3A_22, %dma_wait3A] : memref<10240x128xf32, #tpu.memory_space<vmem_shared>> -> memref<128x128xf32, #tpu.memory_space<vmem_shared>>
      %dma_wait3A_40 = arith.constant 0 : i32
      %dma_wait3A_41 = tpu.memref_slice %arg12[%add3A_22, %dma_wait3A_40] : memref<10240x128xf32, #tpu.memory_space<vmem_shared>> -> memref<128x128xf32, #tpu.memory_space<vmem_shared>>
      tpu.wait_dma2 semaphore(%run_scoped3A : memref<!tpu.dma_semaphore, #tpu.memory_space<semaphore_mem>>) src(%arg10 : memref<128x128xf32, #tpu.memory_space<vmem>>) dst(%dma_wait3A_41 : memref<128x128xf32, #tpu.memory_space<vmem_shared>>)
      tpu.yield
    }) : () -> ()
    "tpu.region"() ({
      %run_scoped3A = tpu.sem_alloc : memref<!tpu.dma_semaphore, #tpu.memory_space<semaphore_mem>>
      %dma_start3A = arith.constant 0 : i32
      %dma_start3A_36 = tpu.memref_slice %arg3[%mul3A_2, %dma_start3A] : memref<2560x128xi32, #tpu.memory_space<hbm>> -> memref<80x128xi32, #tpu.memory_space<hbm>>
      %dma_start3A_37 = arith.constant 0 : i32
      %dma_start3A_38 = tpu.memref_slice %arg3[%mul3A_2, %dma_start3A_37] : memref<2560x128xi32, #tpu.memory_space<hbm>> -> memref<80x128xi32, #tpu.memory_space<hbm>>
      tpu.enqueue_dma source(%dma_start3A_38 : memref<80x128xi32, #tpu.memory_space<hbm>>) target(%arg8 : memref<80x128xi32, #tpu.memory_space<vmem>>) target_semaphore(%run_scoped3A : memref<!tpu.dma_semaphore, #tpu.memory_space<semaphore_mem>>)
      %dma_wait3A = arith.constant 0 : i32
      %dma_wait3A_39 = tpu.memref_slice %arg3[%mul3A_2, %dma_wait3A] : memref<2560x128xi32, #tpu.memory_space<hbm>> -> memref<80x128xi32, #tpu.memory_space<hbm>>
      %dma_wait3A_40 = arith.constant 0 : i32
      %dma_wait3A_41 = tpu.memref_slice %arg3[%mul3A_2, %dma_wait3A_40] : memref<2560x128xi32, #tpu.memory_space<hbm>> -> memref<80x128xi32, #tpu.memory_space<hbm>>
      tpu.wait_dma2 semaphore(%run_scoped3A : memref<!tpu.dma_semaphore, #tpu.memory_space<semaphore_mem>>) src(%dma_wait3A_41 : memref<80x128xi32, #tpu.memory_space<hbm>>) dst(%arg8 : memref<80x128xi32, #tpu.memory_space<vmem>>)
      tpu.yield
    }) : () -> ()
    "tpu.region"() ({
      %run_scoped3A = tpu.sem_alloc : memref<!tpu.dma_semaphore, #tpu.memory_space<semaphore_mem>>
      %dma_start3A = arith.constant 0 : i32
      %dma_start3A_36 = tpu.memref_slice %arg4[%mul3A_2, %dma_start3A] : memref<2560x128xi32, #tpu.memory_space<hbm>> -> memref<80x128xi32, #tpu.memory_space<hbm>>
      %dma_start3A_37 = arith.constant 0 : i32
      %dma_start3A_38 = tpu.memref_slice %arg4[%mul3A_2, %dma_start3A_37] : memref<2560x128xi32, #tpu.memory_space<hbm>> -> memref<80x128xi32, #tpu.memory_space<hbm>>
      tpu.enqueue_dma source(%dma_start3A_38 : memref<80x128xi32, #tpu.memory_space<hbm>>) target(%arg9 : memref<80x128xi32, #tpu.memory_space<vmem>>) target_semaphore(%run_scoped3A : memref<!tpu.dma_semaphore, #tpu.memory_space<semaphore_mem>>)
      %dma_wait3A = arith.constant 0 : i32
      %dma_wait3A_39 = tpu.memref_slice %arg4[%mul3A_2, %dma_wait3A] : memref<2560x128xi32, #tpu.memory_space<hbm>> -> memref<80x128xi32, #tpu.memory_space<hbm>>
      %dma_wait3A_40 = arith.constant 0 : i32
      %dma_wait3A_41 = tpu.memref_slice %arg4[%mul3A_2, %dma_wait3A_40] : memref<2560x128xi32, #tpu.memory_space<hbm>> -> memref<80x128xi32, #tpu.memory_space<hbm>>
      tpu.wait_dma2 semaphore(%run_scoped3A : memref<!tpu.dma_semaphore, #tpu.memory_space<semaphore_mem>>) src(%dma_wait3A_41 : memref<80x128xi32, #tpu.memory_space<hbm>>) dst(%arg9 : memref<80x128xi32, #tpu.memory_space<vmem>>)
      tpu.yield
    }) : () -> ()
    %barrier3A = arith.constant 0 : index
    tpu.barrier barrier_id(%barrier3A)
    %scan3A = arith.constant 0 : i32
    %scan3A_23 = arith.constant 0 : i32
    %scan3A_24 = arith.constant 80 : i32
    %scan3A_25 = arith.addi %scan3A_23, %scan3A_24 : i32
    %scan3A_26 = arith.constant 1 : i32
    scf.for %scan3A_36 = %scan3A_23 to %scan3A_25 step %scan3A_26  : i32 {
      %dma_start3A = arith.constant 0 : i32
      %dma_start3A_37 = tpu.memref_slice %arg8[%scan3A_36, %dma_start3A] : memref<80x128xi32, #tpu.memory_space<vmem>> -> memref<1x128xi32, #tpu.memory_space<vmem>>
      %dma_start3A_38 = tpu.memref_squeeze %dma_start3A_37 : memref<1x128xi32, #tpu.memory_space<vmem>> -> memref<128xi32, #tpu.memory_space<vmem>>
      %dma_start3A_39 = arith.constant 0 : i32
      %dma_start3A_40 = arith.constant 0 : i32
      %dma_start3A_41 = tpu.memref_slice %arg2[%dma_start3A_39, %dma_start3A_40] : memref<10240x128xf32, #tpu.memory_space<hbm>> -> memref<10240x128xf32, #tpu.memory_space<hbm>>
      tpu.enqueue_indirect_dma source(%dma_start3A_41 : memref<10240x128xf32, #tpu.memory_space<hbm>>) target(%arg10 : memref<128x128xf32, #tpu.memory_space<vmem>>) offsets(%dma_start3A_38 : memref<128xi32, #tpu.memory_space<vmem>>) semaphore(%arg13 : memref<!tpu.dma_semaphore, #tpu.memory_space<semaphore_mem>>)
      %dma_wait3A = arith.constant 0 : i32
      %dma_wait3A_42 = tpu.memref_slice %arg8[%scan3A_36, %dma_wait3A] : memref<80x128xi32, #tpu.memory_space<vmem>> -> memref<1x128xi32, #tpu.memory_space<vmem>>
      %dma_wait3A_43 = tpu.memref_squeeze %dma_wait3A_42 : memref<1x128xi32, #tpu.memory_space<vmem>> -> memref<128xi32, #tpu.memory_space<vmem>>
      %dma_wait3A_44 = arith.constant 0 : i32
      %dma_wait3A_45 = arith.constant 0 : i32
      %dma_wait3A_46 = tpu.memref_slice %arg2[%dma_wait3A_44, %dma_wait3A_45] : memref<10240x128xf32, #tpu.memory_space<hbm>> -> memref<10240x128xf32, #tpu.memory_space<hbm>>
      tpu.wait_indirect_dma semaphore(%arg13 : memref<!tpu.dma_semaphore, #tpu.memory_space<semaphore_mem>>) src(%dma_wait3A_46 : memref<10240x128xf32, #tpu.memory_space<hbm>>) dst(%arg10 : memref<128x128xf32, #tpu.memory_space<vmem>>)
      "tpu.region"() ({
        %run_scoped3A = tpu.sem_alloc : memref<!tpu.dma_semaphore, #tpu.memory_space<semaphore_mem>>
        %dma_start3A_47 = arith.constant 0 : i32
        %dma_start3A_48 = tpu.memref_slice %arg9[%scan3A_36, %dma_start3A_47] : memref<80x128xi32, #tpu.memory_space<vmem>> -> memref<1x128xi32, #tpu.memory_space<vmem>>
        %dma_start3A_49 = tpu.memref_squeeze %dma_start3A_48 : memref<1x128xi32, #tpu.memory_space<vmem>> -> memref<128xi32, #tpu.memory_space<vmem>>
        %dma_start3A_50 = arith.constant 0 : i32
        %dma_start3A_51 = arith.constant 0 : i32
        %dma_start3A_52 = tpu.memref_slice %arg12[%dma_start3A_50, %dma_start3A_51] : memref<10240x128xf32, #tpu.memory_space<vmem_shared>> -> memref<10240x128xf32, #tpu.memory_space<vmem_shared>>
        tpu.enqueue_indirect_dma source(%arg10 : memref<128x128xf32, #tpu.memory_space<vmem>>) target(%dma_start3A_52 : memref<10240x128xf32, #tpu.memory_space<vmem_shared>>) offsets(%dma_start3A_49 : memref<128xi32, #tpu.memory_space<vmem>>) semaphore(%run_scoped3A : memref<!tpu.dma_semaphore, #tpu.memory_space<semaphore_mem>>) {add = true}
        %dma_wait3A_53 = arith.constant 0 : i32
        %dma_wait3A_54 = tpu.memref_slice %arg9[%scan3A_36, %dma_wait3A_53] : memref<80x128xi32, #tpu.memory_space<vmem>> -> memref<1x128xi32, #tpu.memory_space<vmem>>
        %dma_wait3A_55 = tpu.memref_squeeze %dma_wait3A_54 : memref<1x128xi32, #tpu.memory_space<vmem>> -> memref<128xi32, #tpu.memory_space<vmem>>
        %dma_wait3A_56 = arith.constant 0 : i32
        %dma_wait3A_57 = arith.constant 0 : i32
        %dma_wait3A_58 = tpu.memref_slice %arg12[%dma_wait3A_56, %dma_wait3A_57] : memref<10240x128xf32, #tpu.memory_space<vmem_shared>> -> memref<10240x128xf32, #tpu.memory_space<vmem_shared>>
        tpu.wait_indirect_dma semaphore(%run_scoped3A : memref<!tpu.dma_semaphore, #tpu.memory_space<semaphore_mem>>) src(%arg10 : memref<128x128xf32, #tpu.memory_space<vmem>>) dst(%dma_wait3A_58 : memref<10240x128xf32, #tpu.memory_space<vmem_shared>>)
        tpu.yield
      }) : () -> ()
    }
    %scan3A_27 = arith.constant 80 : i32
    %barrier3A_28 = arith.constant 0 : index
    tpu.barrier barrier_id(%barrier3A_28)
    %mul3A_29 = arith.constant 10240 : i32
    %mul3A_30 = arith.muli %arg0, %mul3A_29 : i32
    %mul3A_31 = arith.constant 640 : i32
    %mul3A_32 = arith.muli %arg1, %mul3A_31 : i32
    %add3A_33 = arith.addi %mul3A_30, %mul3A_32 : i32
    %mul3A_34 = arith.constant 640 : i32
    %mul3A_35 = arith.muli %arg1, %mul3A_34 : i32
    "tpu.region"() ({
      %run_scoped3A = tpu.sem_alloc : memref<!tpu.dma_semaphore, #tpu.memory_space<semaphore_mem>>
      %dma_start3A = arith.constant 0 : i32
      %dma_start3A_36 = tpu.memref_slice %arg7[%add3A_33, %dma_start3A] : memref<20480x128xf32, #tpu.memory_space<hbm>> -> memref<640x128xf32, #tpu.memory_space<hbm>>
      %dma_start3A_37 = arith.constant 0 : i32
      %dma_start3A_38 = tpu.memref_slice %arg12[%mul3A_35, %dma_start3A_37] : memref<10240x128xf32, #tpu.memory_space<vmem_shared>> -> memref<640x128xf32, #tpu.memory_space<vmem_shared>>
      tpu.enqueue_dma source(%dma_start3A_38 : memref<640x128xf32, #tpu.memory_space<vmem_shared>>) target(%dma_start3A_36 : memref<640x128xf32, #tpu.memory_space<hbm>>) target_semaphore(%run_scoped3A : memref<!tpu.dma_semaphore, #tpu.memory_space<semaphore_mem>>)
      %dma_wait3A = arith.constant 0 : i32
      %dma_wait3A_39 = tpu.memref_slice %arg7[%add3A_33, %dma_wait3A] : memref<20480x128xf32, #tpu.memory_space<hbm>> -> memref<640x128xf32, #tpu.memory_space<hbm>>
      %dma_wait3A_40 = arith.constant 0 : i32
      %dma_wait3A_41 = tpu.memref_slice %arg12[%mul3A_35, %dma_wait3A_40] : memref<10240x128xf32, #tpu.memory_space<vmem_shared>> -> memref<640x128xf32, #tpu.memory_space<vmem_shared>>
      tpu.wait_dma2 semaphore(%run_scoped3A : memref<!tpu.dma_semaphore, #tpu.memory_space<semaphore_mem>>) src(%dma_wait3A_41 : memref<640x128xf32, #tpu.memory_space<vmem_shared>>) dst(%dma_wait3A_39 : memref<640x128xf32, #tpu.memory_space<hbm>>)
      tpu.yield
    }) : () -> ()
    return
  }
}

#map = affine_map<(d0, d1) -> (0, 0)>
#map1 = affine_map<(d0, d1) -> (0)>
module attributes {stable_mosaic.version = 14 : i64} {
  func.func @_seg_body(%arg0: i32, %arg1: i32, %arg2: memref<51200x128xf32, #tpu.memory_space<hbm>>, %arg3: memref<2560x128xi32, #tpu.memory_space<hbm>>, %arg4: memref<2560x128xi32, #tpu.memory_space<hbm>>, %arg5: memref<128x128xf32, #tpu.memory_space<hbm>>, %arg6: memref<128xf32, #tpu.memory_space<hbm>>, %arg7: memref<20480x128xf32, #tpu.memory_space<hbm>>, %arg8: memref<20480xf32, #tpu.memory_space<hbm>>, %arg9: memref<80x128xi32, #tpu.memory_space<vmem>>, %arg10: memref<80x128xi32, #tpu.memory_space<vmem>>, %arg11: memref<128x128xf32, #tpu.memory_space<vmem>>, %arg12: memref<128xf32, #tpu.memory_space<vmem>>, %arg13: memref<10240x128xf32, #tpu.memory_space<vmem_shared>>, %arg14: memref<!tpu.dma_semaphore, #tpu.memory_space<semaphore_mem>>, %arg15: memref<128xf32, #tpu.memory_space<vmem>>, %arg16: memref<10240xf32, #tpu.memory_space<vmem_shared>>) attributes {dimension_semantics = [#tpu.dimension_semantics<core_parallel>, #tpu.dimension_semantics<subcore_parallel>], iteration_bounds = array<i64: 2, 16>, scalar_prefetch = 0 : i64, scratch_operands = 8 : i64, tpu.core_type = #tpu.core_type<sc_vector_subcore>, window_params = [{transform_indices = #map}, {transform_indices = #map}, {transform_indices = #map}, {transform_indices = #map}, {transform_indices = #map1}, {transform_indices = #map}, {transform_indices = #map1}]} {
    %mul3A = arith.constant 16 : i32
    %mul3A_0 = arith.muli %arg0, %mul3A : i32
    %add3A = arith.addi %mul3A_0, %arg1 : i32
    %mul3A_1 = arith.constant 80 : i32
    %mul3A_2 = arith.muli %add3A, %mul3A_1 : i32
    "tpu.region"() ({
      %run_scoped3A = tpu.sem_alloc : memref<!tpu.dma_semaphore, #tpu.memory_space<semaphore_mem>>
      tpu.enqueue_dma source(%arg5 : memref<128x128xf32, #tpu.memory_space<hbm>>) target(%arg11 : memref<128x128xf32, #tpu.memory_space<vmem>>) target_semaphore(%run_scoped3A : memref<!tpu.dma_semaphore, #tpu.memory_space<semaphore_mem>>)
      tpu.wait_dma2 semaphore(%run_scoped3A : memref<!tpu.dma_semaphore, #tpu.memory_space<semaphore_mem>>) src(%arg5 : memref<128x128xf32, #tpu.memory_space<hbm>>) dst(%arg11 : memref<128x128xf32, #tpu.memory_space<vmem>>)
      tpu.yield
    }) : () -> ()
    "tpu.region"() ({
      %run_scoped3A = tpu.sem_alloc : memref<!tpu.dma_semaphore, #tpu.memory_space<semaphore_mem>>
      tpu.enqueue_dma source(%arg6 : memref<128xf32, #tpu.memory_space<hbm>>) target(%arg12 : memref<128xf32, #tpu.memory_space<vmem>>) target_semaphore(%run_scoped3A : memref<!tpu.dma_semaphore, #tpu.memory_space<semaphore_mem>>)
      tpu.wait_dma2 semaphore(%run_scoped3A : memref<!tpu.dma_semaphore, #tpu.memory_space<semaphore_mem>>) src(%arg6 : memref<128xf32, #tpu.memory_space<hbm>>) dst(%arg12 : memref<128xf32, #tpu.memory_space<vmem>>)
      tpu.yield
    }) : () -> ()
    %mul3A_3 = arith.constant 640 : i32
    %mul3A_4 = arith.muli %arg1, %mul3A_3 : i32
    %add3A_5 = arith.constant 0 : i32
    %add3A_6 = arith.addi %mul3A_4, %add3A_5 : i32
    "tpu.region"() ({
      %run_scoped3A = tpu.sem_alloc : memref<!tpu.dma_semaphore, #tpu.memory_space<semaphore_mem>>
      %dma_start3A = arith.constant 0 : i32
      %dma_start3A_104 = tpu.memref_slice %arg13[%add3A_6, %dma_start3A] : memref<10240x128xf32, #tpu.memory_space<vmem_shared>> -> memref<128x128xf32, #tpu.memory_space<vmem_shared>>
      %dma_start3A_105 = arith.constant 0 : i32
      %dma_start3A_106 = tpu.memref_slice %arg13[%add3A_6, %dma_start3A_105] : memref<10240x128xf32, #tpu.memory_space<vmem_shared>> -> memref<128x128xf32, #tpu.memory_space<vmem_shared>>
      tpu.enqueue_dma source(%arg11 : memref<128x128xf32, #tpu.memory_space<vmem>>) target(%dma_start3A_106 : memref<128x128xf32, #tpu.memory_space<vmem_shared>>) target_semaphore(%run_scoped3A : memref<!tpu.dma_semaphore, #tpu.memory_space<semaphore_mem>>)
      %dma_wait3A = arith.constant 0 : i32
      %dma_wait3A_107 = tpu.memref_slice %arg13[%add3A_6, %dma_wait3A] : memref<10240x128xf32, #tpu.memory_space<vmem_shared>> -> memref<128x128xf32, #tpu.memory_space<vmem_shared>>
      %dma_wait3A_108 = arith.constant 0 : i32
      %dma_wait3A_109 = tpu.memref_slice %arg13[%add3A_6, %dma_wait3A_108] : memref<10240x128xf32, #tpu.memory_space<vmem_shared>> -> memref<128x128xf32, #tpu.memory_space<vmem_shared>>
      tpu.wait_dma2 semaphore(%run_scoped3A : memref<!tpu.dma_semaphore, #tpu.memory_space<semaphore_mem>>) src(%arg11 : memref<128x128xf32, #tpu.memory_space<vmem>>) dst(%dma_wait3A_109 : memref<128x128xf32, #tpu.memory_space<vmem_shared>>)
      tpu.yield
    }) : () -> ()
    %mul3A_7 = arith.constant 640 : i32
    %mul3A_8 = arith.muli %arg1, %mul3A_7 : i32
    %add3A_9 = arith.constant 128 : i32
    %add3A_10 = arith.addi %mul3A_8, %add3A_9 : i32
    "tpu.region"() ({
      %run_scoped3A = tpu.sem_alloc : memref<!tpu.dma_semaphore, #tpu.memory_space<semaphore_mem>>
      %dma_start3A = arith.constant 0 : i32
      %dma_start3A_104 = tpu.memref_slice %arg13[%add3A_10, %dma_start3A] : memref<10240x128xf32, #tpu.memory_space<vmem_shared>> -> memref<128x128xf32, #tpu.memory_space<vmem_shared>>
      %dma_start3A_105 = arith.constant 0 : i32
      %dma_start3A_106 = tpu.memref_slice %arg13[%add3A_10, %dma_start3A_105] : memref<10240x128xf32, #tpu.memory_space<vmem_shared>> -> memref<128x128xf32, #tpu.memory_space<vmem_shared>>
      tpu.enqueue_dma source(%arg11 : memref<128x128xf32, #tpu.memory_space<vmem>>) target(%dma_start3A_106 : memref<128x128xf32, #tpu.memory_space<vmem_shared>>) target_semaphore(%run_scoped3A : memref<!tpu.dma_semaphore, #tpu.memory_space<semaphore_mem>>)
      %dma_wait3A = arith.constant 0 : i32
      %dma_wait3A_107 = tpu.memref_slice %arg13[%add3A_10, %dma_wait3A] : memref<10240x128xf32, #tpu.memory_space<vmem_shared>> -> memref<128x128xf32, #tpu.memory_space<vmem_shared>>
      %dma_wait3A_108 = arith.constant 0 : i32
      %dma_wait3A_109 = tpu.memref_slice %arg13[%add3A_10, %dma_wait3A_108] : memref<10240x128xf32, #tpu.memory_space<vmem_shared>> -> memref<128x128xf32, #tpu.memory_space<vmem_shared>>
      tpu.wait_dma2 semaphore(%run_scoped3A : memref<!tpu.dma_semaphore, #tpu.memory_space<semaphore_mem>>) src(%arg11 : memref<128x128xf32, #tpu.memory_space<vmem>>) dst(%dma_wait3A_109 : memref<128x128xf32, #tpu.memory_space<vmem_shared>>)
      tpu.yield
    }) : () -> ()
    %mul3A_11 = arith.constant 640 : i32
    %mul3A_12 = arith.muli %arg1, %mul3A_11 : i32
    %add3A_13 = arith.constant 256 : i32
    %add3A_14 = arith.addi %mul3A_12, %add3A_13 : i32
    "tpu.region"() ({
      %run_scoped3A = tpu.sem_alloc : memref<!tpu.dma_semaphore, #tpu.memory_space<semaphore_mem>>
      %dma_start3A = arith.constant 0 : i32
      %dma_start3A_104 = tpu.memref_slice %arg13[%add3A_14, %dma_start3A] : memref<10240x128xf32, #tpu.memory_space<vmem_shared>> -> memref<128x128xf32, #tpu.memory_space<vmem_shared>>
      %dma_start3A_105 = arith.constant 0 : i32
      %dma_start3A_106 = tpu.memref_slice %arg13[%add3A_14, %dma_start3A_105] : memref<10240x128xf32, #tpu.memory_space<vmem_shared>> -> memref<128x128xf32, #tpu.memory_space<vmem_shared>>
      tpu.enqueue_dma source(%arg11 : memref<128x128xf32, #tpu.memory_space<vmem>>) target(%dma_start3A_106 : memref<128x128xf32, #tpu.memory_space<vmem_shared>>) target_semaphore(%run_scoped3A : memref<!tpu.dma_semaphore, #tpu.memory_space<semaphore_mem>>)
      %dma_wait3A = arith.constant 0 : i32
      %dma_wait3A_107 = tpu.memref_slice %arg13[%add3A_14, %dma_wait3A] : memref<10240x128xf32, #tpu.memory_space<vmem_shared>> -> memref<128x128xf32, #tpu.memory_space<vmem_shared>>
      %dma_wait3A_108 = arith.constant 0 : i32
      %dma_wait3A_109 = tpu.memref_slice %arg13[%add3A_14, %dma_wait3A_108] : memref<10240x128xf32, #tpu.memory_space<vmem_shared>> -> memref<128x128xf32, #tpu.memory_space<vmem_shared>>
      tpu.wait_dma2 semaphore(%run_scoped3A : memref<!tpu.dma_semaphore, #tpu.memory_space<semaphore_mem>>) src(%arg11 : memref<128x128xf32, #tpu.memory_space<vmem>>) dst(%dma_wait3A_109 : memref<128x128xf32, #tpu.memory_space<vmem_shared>>)
      tpu.yield
    }) : () -> ()
    %mul3A_15 = arith.constant 640 : i32
    %mul3A_16 = arith.muli %arg1, %mul3A_15 : i32
    %add3A_17 = arith.constant 384 : i32
    %add3A_18 = arith.addi %mul3A_16, %add3A_17 : i32
    "tpu.region"() ({
      %run_scoped3A = tpu.sem_alloc : memref<!tpu.dma_semaphore, #tpu.memory_space<semaphore_mem>>
      %dma_start3A = arith.constant 0 : i32
      %dma_start3A_104 = tpu.memref_slice %arg13[%add3A_18, %dma_start3A] : memref<10240x128xf32, #tpu.memory_space<vmem_shared>> -> memref<128x128xf32, #tpu.memory_space<vmem_shared>>
      %dma_start3A_105 = arith.constant 0 : i32
      %dma_start3A_106 = tpu.memref_slice %arg13[%add3A_18, %dma_start3A_105] : memref<10240x128xf32, #tpu.memory_space<vmem_shared>> -> memref<128x128xf32, #tpu.memory_space<vmem_shared>>
      tpu.enqueue_dma source(%arg11 : memref<128x128xf32, #tpu.memory_space<vmem>>) target(%dma_start3A_106 : memref<128x128xf32, #tpu.memory_space<vmem_shared>>) target_semaphore(%run_scoped3A : memref<!tpu.dma_semaphore, #tpu.memory_space<semaphore_mem>>)
      %dma_wait3A = arith.constant 0 : i32
      %dma_wait3A_107 = tpu.memref_slice %arg13[%add3A_18, %dma_wait3A] : memref<10240x128xf32, #tpu.memory_space<vmem_shared>> -> memref<128x128xf32, #tpu.memory_space<vmem_shared>>
      %dma_wait3A_108 = arith.constant 0 : i32
      %dma_wait3A_109 = tpu.memref_slice %arg13[%add3A_18, %dma_wait3A_108] : memref<10240x128xf32, #tpu.memory_space<vmem_shared>> -> memref<128x128xf32, #tpu.memory_space<vmem_shared>>
      tpu.wait_dma2 semaphore(%run_scoped3A : memref<!tpu.dma_semaphore, #tpu.memory_space<semaphore_mem>>) src(%arg11 : memref<128x128xf32, #tpu.memory_space<vmem>>) dst(%dma_wait3A_109 : memref<128x128xf32, #tpu.memory_space<vmem_shared>>)
      tpu.yield
    }) : () -> ()
    %mul3A_19 = arith.constant 640 : i32
    %mul3A_20 = arith.muli %arg1, %mul3A_19 : i32
    %add3A_21 = arith.constant 512 : i32
    %add3A_22 = arith.addi %mul3A_20, %add3A_21 : i32
    "tpu.region"() ({
      %run_scoped3A = tpu.sem_alloc : memref<!tpu.dma_semaphore, #tpu.memory_space<semaphore_mem>>
      %dma_start3A = arith.constant 0 : i32
      %dma_start3A_104 = tpu.memref_slice %arg13[%add3A_22, %dma_start3A] : memref<10240x128xf32, #tpu.memory_space<vmem_shared>> -> memref<128x128xf32, #tpu.memory_space<vmem_shared>>
      %dma_start3A_105 = arith.constant 0 : i32
      %dma_start3A_106 = tpu.memref_slice %arg13[%add3A_22, %dma_start3A_105] : memref<10240x128xf32, #tpu.memory_space<vmem_shared>> -> memref<128x128xf32, #tpu.memory_space<vmem_shared>>
      tpu.enqueue_dma source(%arg11 : memref<128x128xf32, #tpu.memory_space<vmem>>) target(%dma_start3A_106 : memref<128x128xf32, #tpu.memory_space<vmem_shared>>) target_semaphore(%run_scoped3A : memref<!tpu.dma_semaphore, #tpu.memory_space<semaphore_mem>>)
      %dma_wait3A = arith.constant 0 : i32
      %dma_wait3A_107 = tpu.memref_slice %arg13[%add3A_22, %dma_wait3A] : memref<10240x128xf32, #tpu.memory_space<vmem_shared>> -> memref<128x128xf32, #tpu.memory_space<vmem_shared>>
      %dma_wait3A_108 = arith.constant 0 : i32
      %dma_wait3A_109 = tpu.memref_slice %arg13[%add3A_22, %dma_wait3A_108] : memref<10240x128xf32, #tpu.memory_space<vmem_shared>> -> memref<128x128xf32, #tpu.memory_space<vmem_shared>>
      tpu.wait_dma2 semaphore(%run_scoped3A : memref<!tpu.dma_semaphore, #tpu.memory_space<semaphore_mem>>) src(%arg11 : memref<128x128xf32, #tpu.memory_space<vmem>>) dst(%dma_wait3A_109 : memref<128x128xf32, #tpu.memory_space<vmem_shared>>)
      tpu.yield
    }) : () -> ()
    "tpu.region"() ({
      %run_scoped3A = tpu.sem_alloc : memref<!tpu.dma_semaphore, #tpu.memory_space<semaphore_mem>>
      %dma_start3A = arith.constant 0 : i32
      %dma_start3A_104 = tpu.memref_slice %arg3[%mul3A_2, %dma_start3A] : memref<2560x128xi32, #tpu.memory_space<hbm>> -> memref<80x128xi32, #tpu.memory_space<hbm>>
      %dma_start3A_105 = arith.constant 0 : i32
      %dma_start3A_106 = tpu.memref_slice %arg3[%mul3A_2, %dma_start3A_105] : memref<2560x128xi32, #tpu.memory_space<hbm>> -> memref<80x128xi32, #tpu.memory_space<hbm>>
      tpu.enqueue_dma source(%dma_start3A_106 : memref<80x128xi32, #tpu.memory_space<hbm>>) target(%arg9 : memref<80x128xi32, #tpu.memory_space<vmem>>) target_semaphore(%run_scoped3A : memref<!tpu.dma_semaphore, #tpu.memory_space<semaphore_mem>>)
      %dma_wait3A = arith.constant 0 : i32
      %dma_wait3A_107 = tpu.memref_slice %arg3[%mul3A_2, %dma_wait3A] : memref<2560x128xi32, #tpu.memory_space<hbm>> -> memref<80x128xi32, #tpu.memory_space<hbm>>
      %dma_wait3A_108 = arith.constant 0 : i32
      %dma_wait3A_109 = tpu.memref_slice %arg3[%mul3A_2, %dma_wait3A_108] : memref<2560x128xi32, #tpu.memory_space<hbm>> -> memref<80x128xi32, #tpu.memory_space<hbm>>
      tpu.wait_dma2 semaphore(%run_scoped3A : memref<!tpu.dma_semaphore, #tpu.memory_space<semaphore_mem>>) src(%dma_wait3A_109 : memref<80x128xi32, #tpu.memory_space<hbm>>) dst(%arg9 : memref<80x128xi32, #tpu.memory_space<vmem>>)
      tpu.yield
    }) : () -> ()
    "tpu.region"() ({
      %run_scoped3A = tpu.sem_alloc : memref<!tpu.dma_semaphore, #tpu.memory_space<semaphore_mem>>
      %dma_start3A = arith.constant 0 : i32
      %dma_start3A_104 = tpu.memref_slice %arg4[%mul3A_2, %dma_start3A] : memref<2560x128xi32, #tpu.memory_space<hbm>> -> memref<80x128xi32, #tpu.memory_space<hbm>>
      %dma_start3A_105 = arith.constant 0 : i32
      %dma_start3A_106 = tpu.memref_slice %arg4[%mul3A_2, %dma_start3A_105] : memref<2560x128xi32, #tpu.memory_space<hbm>> -> memref<80x128xi32, #tpu.memory_space<hbm>>
      tpu.enqueue_dma source(%dma_start3A_106 : memref<80x128xi32, #tpu.memory_space<hbm>>) target(%arg10 : memref<80x128xi32, #tpu.memory_space<vmem>>) target_semaphore(%run_scoped3A : memref<!tpu.dma_semaphore, #tpu.memory_space<semaphore_mem>>)
      %dma_wait3A = arith.constant 0 : i32
      %dma_wait3A_107 = tpu.memref_slice %arg4[%mul3A_2, %dma_wait3A] : memref<2560x128xi32, #tpu.memory_space<hbm>> -> memref<80x128xi32, #tpu.memory_space<hbm>>
      %dma_wait3A_108 = arith.constant 0 : i32
      %dma_wait3A_109 = tpu.memref_slice %arg4[%mul3A_2, %dma_wait3A_108] : memref<2560x128xi32, #tpu.memory_space<hbm>> -> memref<80x128xi32, #tpu.memory_space<hbm>>
      tpu.wait_dma2 semaphore(%run_scoped3A : memref<!tpu.dma_semaphore, #tpu.memory_space<semaphore_mem>>) src(%dma_wait3A_109 : memref<80x128xi32, #tpu.memory_space<hbm>>) dst(%arg10 : memref<80x128xi32, #tpu.memory_space<vmem>>)
      tpu.yield
    }) : () -> ()
    %mul3A_23 = arith.constant 640 : i32
    %mul3A_24 = arith.muli %arg1, %mul3A_23 : i32
    %add3A_25 = arith.constant 0 : i32
    %add3A_26 = arith.addi %mul3A_24, %add3A_25 : i32
    "tpu.region"() ({
      %run_scoped3A = tpu.sem_alloc : memref<!tpu.dma_semaphore, #tpu.memory_space<semaphore_mem>>
      %dma_start3A = tpu.memref_slice %arg16[%add3A_26] : memref<10240xf32, #tpu.memory_space<vmem_shared>> -> memref<128xf32, #tpu.memory_space<vmem_shared>>
      %dma_start3A_104 = tpu.memref_slice %arg16[%add3A_26] : memref<10240xf32, #tpu.memory_space<vmem_shared>> -> memref<128xf32, #tpu.memory_space<vmem_shared>>
      tpu.enqueue_dma source(%arg12 : memref<128xf32, #tpu.memory_space<vmem>>) target(%dma_start3A_104 : memref<128xf32, #tpu.memory_space<vmem_shared>>) target_semaphore(%run_scoped3A : memref<!tpu.dma_semaphore, #tpu.memory_space<semaphore_mem>>)
      %dma_wait3A = tpu.memref_slice %arg16[%add3A_26] : memref<10240xf32, #tpu.memory_space<vmem_shared>> -> memref<128xf32, #tpu.memory_space<vmem_shared>>
      %dma_wait3A_105 = tpu.memref_slice %arg16[%add3A_26] : memref<10240xf32, #tpu.memory_space<vmem_shared>> -> memref<128xf32, #tpu.memory_space<vmem_shared>>
      tpu.wait_dma2 semaphore(%run_scoped3A : memref<!tpu.dma_semaphore, #tpu.memory_space<semaphore_mem>>) src(%arg12 : memref<128xf32, #tpu.memory_space<vmem>>) dst(%dma_wait3A_105 : memref<128xf32, #tpu.memory_space<vmem_shared>>)
      tpu.yield
    }) : () -> ()
    %mul3A_27 = arith.constant 640 : i32
    %mul3A_28 = arith.muli %arg1, %mul3A_27 : i32
    %add3A_29 = arith.constant 128 : i32
    %add3A_30 = arith.addi %mul3A_28, %add3A_29 : i32
    "tpu.region"() ({
      %run_scoped3A = tpu.sem_alloc : memref<!tpu.dma_semaphore, #tpu.memory_space<semaphore_mem>>
      %dma_start3A = tpu.memref_slice %arg16[%add3A_30] : memref<10240xf32, #tpu.memory_space<vmem_shared>> -> memref<128xf32, #tpu.memory_space<vmem_shared>>
      %dma_start3A_104 = tpu.memref_slice %arg16[%add3A_30] : memref<10240xf32, #tpu.memory_space<vmem_shared>> -> memref<128xf32, #tpu.memory_space<vmem_shared>>
      tpu.enqueue_dma source(%arg12 : memref<128xf32, #tpu.memory_space<vmem>>) target(%dma_start3A_104 : memref<128xf32, #tpu.memory_space<vmem_shared>>) target_semaphore(%run_scoped3A : memref<!tpu.dma_semaphore, #tpu.memory_space<semaphore_mem>>)
      %dma_wait3A = tpu.memref_slice %arg16[%add3A_30] : memref<10240xf32, #tpu.memory_space<vmem_shared>> -> memref<128xf32, #tpu.memory_space<vmem_shared>>
      %dma_wait3A_105 = tpu.memref_slice %arg16[%add3A_30] : memref<10240xf32, #tpu.memory_space<vmem_shared>> -> memref<128xf32, #tpu.memory_space<vmem_shared>>
      tpu.wait_dma2 semaphore(%run_scoped3A : memref<!tpu.dma_semaphore, #tpu.memory_space<semaphore_mem>>) src(%arg12 : memref<128xf32, #tpu.memory_space<vmem>>) dst(%dma_wait3A_105 : memref<128xf32, #tpu.memory_space<vmem_shared>>)
      tpu.yield
    }) : () -> ()
    %mul3A_31 = arith.constant 640 : i32
    %mul3A_32 = arith.muli %arg1, %mul3A_31 : i32
    %add3A_33 = arith.constant 256 : i32
    %add3A_34 = arith.addi %mul3A_32, %add3A_33 : i32
    "tpu.region"() ({
      %run_scoped3A = tpu.sem_alloc : memref<!tpu.dma_semaphore, #tpu.memory_space<semaphore_mem>>
      %dma_start3A = tpu.memref_slice %arg16[%add3A_34] : memref<10240xf32, #tpu.memory_space<vmem_shared>> -> memref<128xf32, #tpu.memory_space<vmem_shared>>
      %dma_start3A_104 = tpu.memref_slice %arg16[%add3A_34] : memref<10240xf32, #tpu.memory_space<vmem_shared>> -> memref<128xf32, #tpu.memory_space<vmem_shared>>
      tpu.enqueue_dma source(%arg12 : memref<128xf32, #tpu.memory_space<vmem>>) target(%dma_start3A_104 : memref<128xf32, #tpu.memory_space<vmem_shared>>) target_semaphore(%run_scoped3A : memref<!tpu.dma_semaphore, #tpu.memory_space<semaphore_mem>>)
      %dma_wait3A = tpu.memref_slice %arg16[%add3A_34] : memref<10240xf32, #tpu.memory_space<vmem_shared>> -> memref<128xf32, #tpu.memory_space<vmem_shared>>
      %dma_wait3A_105 = tpu.memref_slice %arg16[%add3A_34] : memref<10240xf32, #tpu.memory_space<vmem_shared>> -> memref<128xf32, #tpu.memory_space<vmem_shared>>
      tpu.wait_dma2 semaphore(%run_scoped3A : memref<!tpu.dma_semaphore, #tpu.memory_space<semaphore_mem>>) src(%arg12 : memref<128xf32, #tpu.memory_space<vmem>>) dst(%dma_wait3A_105 : memref<128xf32, #tpu.memory_space<vmem_shared>>)
      tpu.yield
    }) : () -> ()
    %mul3A_35 = arith.constant 640 : i32
    %mul3A_36 = arith.muli %arg1, %mul3A_35 : i32
    %add3A_37 = arith.constant 384 : i32
    %add3A_38 = arith.addi %mul3A_36, %add3A_37 : i32
    "tpu.region"() ({
      %run_scoped3A = tpu.sem_alloc : memref<!tpu.dma_semaphore, #tpu.memory_space<semaphore_mem>>
      %dma_start3A = tpu.memref_slice %arg16[%add3A_38] : memref<10240xf32, #tpu.memory_space<vmem_shared>> -> memref<128xf32, #tpu.memory_space<vmem_shared>>
      %dma_start3A_104 = tpu.memref_slice %arg16[%add3A_38] : memref<10240xf32, #tpu.memory_space<vmem_shared>> -> memref<128xf32, #tpu.memory_space<vmem_shared>>
      tpu.enqueue_dma source(%arg12 : memref<128xf32, #tpu.memory_space<vmem>>) target(%dma_start3A_104 : memref<128xf32, #tpu.memory_space<vmem_shared>>) target_semaphore(%run_scoped3A : memref<!tpu.dma_semaphore, #tpu.memory_space<semaphore_mem>>)
      %dma_wait3A = tpu.memref_slice %arg16[%add3A_38] : memref<10240xf32, #tpu.memory_space<vmem_shared>> -> memref<128xf32, #tpu.memory_space<vmem_shared>>
      %dma_wait3A_105 = tpu.memref_slice %arg16[%add3A_38] : memref<10240xf32, #tpu.memory_space<vmem_shared>> -> memref<128xf32, #tpu.memory_space<vmem_shared>>
      tpu.wait_dma2 semaphore(%run_scoped3A : memref<!tpu.dma_semaphore, #tpu.memory_space<semaphore_mem>>) src(%arg12 : memref<128xf32, #tpu.memory_space<vmem>>) dst(%dma_wait3A_105 : memref<128xf32, #tpu.memory_space<vmem_shared>>)
      tpu.yield
    }) : () -> ()
    %mul3A_39 = arith.constant 640 : i32
    %mul3A_40 = arith.muli %arg1, %mul3A_39 : i32
    %add3A_41 = arith.constant 512 : i32
    %add3A_42 = arith.addi %mul3A_40, %add3A_41 : i32
    "tpu.region"() ({
      %run_scoped3A = tpu.sem_alloc : memref<!tpu.dma_semaphore, #tpu.memory_space<semaphore_mem>>
      %dma_start3A = tpu.memref_slice %arg16[%add3A_42] : memref<10240xf32, #tpu.memory_space<vmem_shared>> -> memref<128xf32, #tpu.memory_space<vmem_shared>>
      %dma_start3A_104 = tpu.memref_slice %arg16[%add3A_42] : memref<10240xf32, #tpu.memory_space<vmem_shared>> -> memref<128xf32, #tpu.memory_space<vmem_shared>>
      tpu.enqueue_dma source(%arg12 : memref<128xf32, #tpu.memory_space<vmem>>) target(%dma_start3A_104 : memref<128xf32, #tpu.memory_space<vmem_shared>>) target_semaphore(%run_scoped3A : memref<!tpu.dma_semaphore, #tpu.memory_space<semaphore_mem>>)
      %dma_wait3A = tpu.memref_slice %arg16[%add3A_42] : memref<10240xf32, #tpu.memory_space<vmem_shared>> -> memref<128xf32, #tpu.memory_space<vmem_shared>>
      %dma_wait3A_105 = tpu.memref_slice %arg16[%add3A_42] : memref<10240xf32, #tpu.memory_space<vmem_shared>> -> memref<128xf32, #tpu.memory_space<vmem_shared>>
      tpu.wait_dma2 semaphore(%run_scoped3A : memref<!tpu.dma_semaphore, #tpu.memory_space<semaphore_mem>>) src(%arg12 : memref<128xf32, #tpu.memory_space<vmem>>) dst(%dma_wait3A_105 : memref<128xf32, #tpu.memory_space<vmem_shared>>)
      tpu.yield
    }) : () -> ()
    %broadcast_in_dim3A = arith.constant 1.000000e+00 : f32
    %broadcast_in_dim3A_43 = vector.broadcast %broadcast_in_dim3A : f32 to vector<16xf32>
    %swap3A = arith.constant 0 : index
    %swap3A_44 = tpu.vector_load %arg15[%swap3A] {strides = array<i32>} : memref<128xf32, #tpu.memory_space<vmem>>, vector<16xf32>,
    %swap3A_45 = vector.shape_cast %swap3A_44 : vector<16xf32> to vector<16xf32>
    %swap3A_46 = vector.shape_cast %broadcast_in_dim3A_43 : vector<16xf32> to vector<16xf32>
    tpu.vector_store %arg15[%swap3A], %swap3A_46 {strides = array<i32>} : memref<128xf32, #tpu.memory_space<vmem>>, vector<16xf32>,
    %broadcast_in_dim3A_47 = arith.constant 1.000000e+00 : f32
    %broadcast_in_dim3A_48 = vector.broadcast %broadcast_in_dim3A_47 : f32 to vector<16xf32>
    %swap3A_49 = arith.constant 16 : index
    %swap3A_50 = tpu.vector_load %arg15[%swap3A_49] {strides = array<i32>} : memref<128xf32, #tpu.memory_space<vmem>>, vector<16xf32>,
    %swap3A_51 = vector.shape_cast %swap3A_50 : vector<16xf32> to vector<16xf32>
    %swap3A_52 = vector.shape_cast %broadcast_in_dim3A_48 : vector<16xf32> to vector<16xf32>
    tpu.vector_store %arg15[%swap3A_49], %swap3A_52 {strides = array<i32>} : memref<128xf32, #tpu.memory_space<vmem>>, vector<16xf32>,
    %broadcast_in_dim3A_53 = arith.constant 1.000000e+00 : f32
    %broadcast_in_dim3A_54 = vector.broadcast %broadcast_in_dim3A_53 : f32 to vector<16xf32>
    %swap3A_55 = arith.constant 32 : index
    %swap3A_56 = tpu.vector_load %arg15[%swap3A_55] {strides = array<i32>} : memref<128xf32, #tpu.memory_space<vmem>>, vector<16xf32>,
    %swap3A_57 = vector.shape_cast %swap3A_56 : vector<16xf32> to vector<16xf32>
    %swap3A_58 = vector.shape_cast %broadcast_in_dim3A_54 : vector<16xf32> to vector<16xf32>
    tpu.vector_store %arg15[%swap3A_55], %swap3A_58 {strides = array<i32>} : memref<128xf32, #tpu.memory_space<vmem>>, vector<16xf32>,
    %broadcast_in_dim3A_59 = arith.constant 1.000000e+00 : f32
    %broadcast_in_dim3A_60 = vector.broadcast %broadcast_in_dim3A_59 : f32 to vector<16xf32>
    %swap3A_61 = arith.constant 48 : index
    %swap3A_62 = tpu.vector_load %arg15[%swap3A_61] {strides = array<i32>} : memref<128xf32, #tpu.memory_space<vmem>>, vector<16xf32>,
    %swap3A_63 = vector.shape_cast %swap3A_62 : vector<16xf32> to vector<16xf32>
    %swap3A_64 = vector.shape_cast %broadcast_in_dim3A_60 : vector<16xf32> to vector<16xf32>
    tpu.vector_store %arg15[%swap3A_61], %swap3A_64 {strides = array<i32>} : memref<128xf32, #tpu.memory_space<vmem>>, vector<16xf32>,
    %broadcast_in_dim3A_65 = arith.constant 1.000000e+00 : f32
    %broadcast_in_dim3A_66 = vector.broadcast %broadcast_in_dim3A_65 : f32 to vector<16xf32>
    %swap3A_67 = arith.constant 64 : index
    %swap3A_68 = tpu.vector_load %arg15[%swap3A_67] {strides = array<i32>} : memref<128xf32, #tpu.memory_space<vmem>>, vector<16xf32>,
    %swap3A_69 = vector.shape_cast %swap3A_68 : vector<16xf32> to vector<16xf32>
    %swap3A_70 = vector.shape_cast %broadcast_in_dim3A_66 : vector<16xf32> to vector<16xf32>
    tpu.vector_store %arg15[%swap3A_67], %swap3A_70 {strides = array<i32>} : memref<128xf32, #tpu.memory_space<vmem>>, vector<16xf32>,
    %broadcast_in_dim3A_71 = arith.constant 1.000000e+00 : f32
    %broadcast_in_dim3A_72 = vector.broadcast %broadcast_in_dim3A_71 : f32 to vector<16xf32>
    %swap3A_73 = arith.constant 80 : index
    %swap3A_74 = tpu.vector_load %arg15[%swap3A_73] {strides = array<i32>} : memref<128xf32, #tpu.memory_space<vmem>>, vector<16xf32>,
    %swap3A_75 = vector.shape_cast %swap3A_74 : vector<16xf32> to vector<16xf32>
    %swap3A_76 = vector.shape_cast %broadcast_in_dim3A_72 : vector<16xf32> to vector<16xf32>
    tpu.vector_store %arg15[%swap3A_73], %swap3A_76 {strides = array<i32>} : memref<128xf32, #tpu.memory_space<vmem>>, vector<16xf32>,
    %broadcast_in_dim3A_77 = arith.constant 1.000000e+00 : f32
    %broadcast_in_dim3A_78 = vector.broadcast %broadcast_in_dim3A_77 : f32 to vector<16xf32>
    %swap3A_79 = arith.constant 96 : index
    %swap3A_80 = tpu.vector_load %arg15[%swap3A_79] {strides = array<i32>} : memref<128xf32, #tpu.memory_space<vmem>>, vector<16xf32>,
    %swap3A_81 = vector.shape_cast %swap3A_80 : vector<16xf32> to vector<16xf32>
    %swap3A_82 = vector.shape_cast %broadcast_in_dim3A_78 : vector<16xf32> to vector<16xf32>
    tpu.vector_store %arg15[%swap3A_79], %swap3A_82 {strides = array<i32>} : memref<128xf32, #tpu.memory_space<vmem>>, vector<16xf32>,
    %broadcast_in_dim3A_83 = arith.constant 1.000000e+00 : f32
    %broadcast_in_dim3A_84 = vector.broadcast %broadcast_in_dim3A_83 : f32 to vector<16xf32>
    %swap3A_85 = arith.constant 112 : index
    %swap3A_86 = tpu.vector_load %arg15[%swap3A_85] {strides = array<i32>} : memref<128xf32, #tpu.memory_space<vmem>>, vector<16xf32>,
    %swap3A_87 = vector.shape_cast %swap3A_86 : vector<16xf32> to vector<16xf32>
    %swap3A_88 = vector.shape_cast %broadcast_in_dim3A_84 : vector<16xf32> to vector<16xf32>
    tpu.vector_store %arg15[%swap3A_85], %swap3A_88 {strides = array<i32>} : memref<128xf32, #tpu.memory_space<vmem>>, vector<16xf32>,
    %barrier3A = arith.constant 0 : index
    tpu.barrier barrier_id(%barrier3A)
    %scan3A = arith.constant 0 : i32
    %scan3A_89 = arith.constant 0 : i32
    %scan3A_90 = arith.constant 80 : i32
    %scan3A_91 = arith.addi %scan3A_89, %scan3A_90 : i32
    %scan3A_92 = arith.constant 1 : i32
    scf.for %scan3A_104 = %scan3A_89 to %scan3A_91 step %scan3A_92  : i32 {
      %dma_start3A = arith.constant 0 : i32
      %dma_start3A_105 = tpu.memref_slice %arg9[%scan3A_104, %dma_start3A] : memref<80x128xi32, #tpu.memory_space<vmem>> -> memref<1x128xi32, #tpu.memory_space<vmem>>
      %dma_start3A_106 = tpu.memref_squeeze %dma_start3A_105 : memref<1x128xi32, #tpu.memory_space<vmem>> -> memref<128xi32, #tpu.memory_space<vmem>>
      %dma_start3A_107 = arith.constant 0 : i32
      %dma_start3A_108 = arith.constant 0 : i32
      %dma_start3A_109 = tpu.memref_slice %arg2[%dma_start3A_107, %dma_start3A_108] : memref<51200x128xf32, #tpu.memory_space<hbm>> -> memref<51200x128xf32, #tpu.memory_space<hbm>>
      tpu.enqueue_indirect_dma source(%dma_start3A_109 : memref<51200x128xf32, #tpu.memory_space<hbm>>) target(%arg11 : memref<128x128xf32, #tpu.memory_space<vmem>>) offsets(%dma_start3A_106 : memref<128xi32, #tpu.memory_space<vmem>>) semaphore(%arg14 : memref<!tpu.dma_semaphore, #tpu.memory_space<semaphore_mem>>)
      %dma_wait3A = arith.constant 0 : i32
      %dma_wait3A_110 = tpu.memref_slice %arg9[%scan3A_104, %dma_wait3A] : memref<80x128xi32, #tpu.memory_space<vmem>> -> memref<1x128xi32, #tpu.memory_space<vmem>>
      %dma_wait3A_111 = tpu.memref_squeeze %dma_wait3A_110 : memref<1x128xi32, #tpu.memory_space<vmem>> -> memref<128xi32, #tpu.memory_space<vmem>>
      %dma_wait3A_112 = arith.constant 0 : i32
      %dma_wait3A_113 = arith.constant 0 : i32
      %dma_wait3A_114 = tpu.memref_slice %arg2[%dma_wait3A_112, %dma_wait3A_113] : memref<51200x128xf32, #tpu.memory_space<hbm>> -> memref<51200x128xf32, #tpu.memory_space<hbm>>
      tpu.wait_indirect_dma semaphore(%arg14 : memref<!tpu.dma_semaphore, #tpu.memory_space<semaphore_mem>>) src(%dma_wait3A_114 : memref<51200x128xf32, #tpu.memory_space<hbm>>) dst(%arg11 : memref<128x128xf32, #tpu.memory_space<vmem>>)
      "tpu.region"() ({
        %run_scoped3A = tpu.sem_alloc : memref<!tpu.dma_semaphore, #tpu.memory_space<semaphore_mem>>
        %dma_start3A_115 = arith.constant 0 : i32
        %dma_start3A_116 = tpu.memref_slice %arg10[%scan3A_104, %dma_start3A_115] : memref<80x128xi32, #tpu.memory_space<vmem>> -> memref<1x128xi32, #tpu.memory_space<vmem>>
        %dma_start3A_117 = tpu.memref_squeeze %dma_start3A_116 : memref<1x128xi32, #tpu.memory_space<vmem>> -> memref<128xi32, #tpu.memory_space<vmem>>
        %dma_start3A_118 = arith.constant 0 : i32
        %dma_start3A_119 = arith.constant 0 : i32
        %dma_start3A_120 = tpu.memref_slice %arg13[%dma_start3A_118, %dma_start3A_119] : memref<10240x128xf32, #tpu.memory_space<vmem_shared>> -> memref<10240x128xf32, #tpu.memory_space<vmem_shared>>
        tpu.enqueue_indirect_dma source(%arg11 : memref<128x128xf32, #tpu.memory_space<vmem>>) target(%dma_start3A_120 : memref<10240x128xf32, #tpu.memory_space<vmem_shared>>) offsets(%dma_start3A_117 : memref<128xi32, #tpu.memory_space<vmem>>) semaphore(%run_scoped3A : memref<!tpu.dma_semaphore, #tpu.memory_space<semaphore_mem>>) {add = true}
        %dma_wait3A_121 = arith.constant 0 : i32
        %dma_wait3A_122 = tpu.memref_slice %arg10[%scan3A_104, %dma_wait3A_121] : memref<80x128xi32, #tpu.memory_space<vmem>> -> memref<1x128xi32, #tpu.memory_space<vmem>>
        %dma_wait3A_123 = tpu.memref_squeeze %dma_wait3A_122 : memref<1x128xi32, #tpu.memory_space<vmem>> -> memref<128xi32, #tpu.memory_space<vmem>>
        %dma_wait3A_124 = arith.constant 0 : i32
        %dma_wait3A_125 = arith.constant 0 : i32
        %dma_wait3A_126 = tpu.memref_slice %arg13[%dma_wait3A_124, %dma_wait3A_125] : memref<10240x128xf32, #tpu.memory_space<vmem_shared>> -> memref<10240x128xf32, #tpu.memory_space<vmem_shared>>
        tpu.wait_indirect_dma semaphore(%run_scoped3A : memref<!tpu.dma_semaphore, #tpu.memory_space<semaphore_mem>>) src(%arg11 : memref<128x128xf32, #tpu.memory_space<vmem>>) dst(%dma_wait3A_126 : memref<10240x128xf32, #tpu.memory_space<vmem_shared>>)
        tpu.yield
      }) : () -> ()
      "tpu.region"() ({
        %run_scoped3A = tpu.sem_alloc : memref<!tpu.dma_semaphore, #tpu.memory_space<semaphore_mem>>
        %dma_start3A_115 = arith.constant 0 : i32
        %dma_start3A_116 = tpu.memref_slice %arg10[%scan3A_104, %dma_start3A_115] : memref<80x128xi32, #tpu.memory_space<vmem>> -> memref<1x128xi32, #tpu.memory_space<vmem>>
        %dma_start3A_117 = tpu.memref_squeeze %dma_start3A_116 : memref<1x128xi32, #tpu.memory_space<vmem>> -> memref<128xi32, #tpu.memory_space<vmem>>
        %dma_start3A_118 = arith.constant 0 : i32
        %dma_start3A_119 = tpu.memref_slice %arg16[%dma_start3A_118] : memref<10240xf32, #tpu.memory_space<vmem_shared>> -> memref<10240xf32, #tpu.memory_space<vmem_shared>>
        tpu.enqueue_indirect_dma source(%arg15 : memref<128xf32, #tpu.memory_space<vmem>>) target(%dma_start3A_119 : memref<10240xf32, #tpu.memory_space<vmem_shared>>) offsets(%dma_start3A_117 : memref<128xi32, #tpu.memory_space<vmem>>) semaphore(%run_scoped3A : memref<!tpu.dma_semaphore, #tpu.memory_space<semaphore_mem>>) {add = true}
        %dma_wait3A_120 = arith.constant 0 : i32
        %dma_wait3A_121 = tpu.memref_slice %arg10[%scan3A_104, %dma_wait3A_120] : memref<80x128xi32, #tpu.memory_space<vmem>> -> memref<1x128xi32, #tpu.memory_space<vmem>>
        %dma_wait3A_122 = tpu.memref_squeeze %dma_wait3A_121 : memref<1x128xi32, #tpu.memory_space<vmem>> -> memref<128xi32, #tpu.memory_space<vmem>>
        %dma_wait3A_123 = arith.constant 0 : i32
        %dma_wait3A_124 = tpu.memref_slice %arg16[%dma_wait3A_123] : memref<10240xf32, #tpu.memory_space<vmem_shared>> -> memref<10240xf32, #tpu.memory_space<vmem_shared>>
        tpu.wait_indirect_dma semaphore(%run_scoped3A : memref<!tpu.dma_semaphore, #tpu.memory_space<semaphore_mem>>) src(%arg15 : memref<128xf32, #tpu.memory_space<vmem>>) dst(%dma_wait3A_124 : memref<10240xf32, #tpu.memory_space<vmem_shared>>)
        tpu.yield
      }) : () -> ()
    }
    %scan3A_93 = arith.constant 80 : i32
    %barrier3A_94 = arith.constant 0 : index
    tpu.barrier barrier_id(%barrier3A_94)
    %mul3A_95 = arith.constant 10240 : i32
    %mul3A_96 = arith.muli %arg0, %mul3A_95 : i32
    %mul3A_97 = arith.constant 640 : i32
    %mul3A_98 = arith.muli %arg1, %mul3A_97 : i32
    %add3A_99 = arith.addi %mul3A_96, %mul3A_98 : i32
    %mul3A_100 = arith.constant 640 : i32
    %mul3A_101 = arith.muli %arg1, %mul3A_100 : i32
    "tpu.region"() ({
      %run_scoped3A = tpu.sem_alloc : memref<!tpu.dma_semaphore, #tpu.memory_space<semaphore_mem>>
      %dma_start3A = arith.constant 0 : i32
      %dma_start3A_104 = tpu.memref_slice %arg7[%add3A_99, %dma_start3A] : memref<20480x128xf32, #tpu.memory_space<hbm>> -> memref<640x128xf32, #tpu.memory_space<hbm>>
      %dma_start3A_105 = arith.constant 0 : i32
      %dma_start3A_106 = tpu.memref_slice %arg13[%mul3A_101, %dma_start3A_105] : memref<10240x128xf32, #tpu.memory_space<vmem_shared>> -> memref<640x128xf32, #tpu.memory_space<vmem_shared>>
      tpu.enqueue_dma source(%dma_start3A_106 : memref<640x128xf32, #tpu.memory_space<vmem_shared>>) target(%dma_start3A_104 : memref<640x128xf32, #tpu.memory_space<hbm>>) target_semaphore(%run_scoped3A : memref<!tpu.dma_semaphore, #tpu.memory_space<semaphore_mem>>)
      %dma_wait3A = arith.constant 0 : i32
      %dma_wait3A_107 = tpu.memref_slice %arg7[%add3A_99, %dma_wait3A] : memref<20480x128xf32, #tpu.memory_space<hbm>> -> memref<640x128xf32, #tpu.memory_space<hbm>>
      %dma_wait3A_108 = arith.constant 0 : i32
      %dma_wait3A_109 = tpu.memref_slice %arg13[%mul3A_101, %dma_wait3A_108] : memref<10240x128xf32, #tpu.memory_space<vmem_shared>> -> memref<640x128xf32, #tpu.memory_space<vmem_shared>>
      tpu.wait_dma2 semaphore(%run_scoped3A : memref<!tpu.dma_semaphore, #tpu.memory_space<semaphore_mem>>) src(%dma_wait3A_109 : memref<640x128xf32, #tpu.memory_space<vmem_shared>>) dst(%dma_wait3A_107 : memref<640x128xf32, #tpu.memory_space<hbm>>)
      tpu.yield
    }) : () -> ()
    %mul3A_102 = arith.constant 640 : i32
    %mul3A_103 = arith.muli %arg1, %mul3A_102 : i32
    "tpu.region"() ({
      %run_scoped3A = tpu.sem_alloc : memref<!tpu.dma_semaphore, #tpu.memory_space<semaphore_mem>>
      %dma_start3A = tpu.memref_slice %arg8[%add3A_99] : memref<20480xf32, #tpu.memory_space<hbm>> -> memref<640xf32, #tpu.memory_space<hbm>>
      %dma_start3A_104 = tpu.memref_slice %arg16[%mul3A_103] : memref<10240xf32, #tpu.memory_space<vmem_shared>> -> memref<640xf32, #tpu.memory_space<vmem_shared>>
      tpu.enqueue_dma source(%dma_start3A_104 : memref<640xf32, #tpu.memory_space<vmem_shared>>) target(%dma_start3A : memref<640xf32, #tpu.memory_space<hbm>>) target_semaphore(%run_scoped3A : memref<!tpu.dma_semaphore, #tpu.memory_space<semaphore_mem>>)
      %dma_wait3A = tpu.memref_slice %arg8[%add3A_99] : memref<20480xf32, #tpu.memory_space<hbm>> -> memref<640xf32, #tpu.memory_space<hbm>>
      %dma_wait3A_105 = tpu.memref_slice %arg16[%mul3A_103] : memref<10240xf32, #tpu.memory_space<vmem_shared>> -> memref<640xf32, #tpu.memory_space<vmem_shared>>
      tpu.wait_dma2 semaphore(%run_scoped3A : memref<!tpu.dma_semaphore, #tpu.memory_space<semaphore_mem>>) src(%dma_wait3A_105 : memref<640xf32, #tpu.memory_space<vmem_shared>>) dst(%dma_wait3A : memref<640xf32, #tpu.memory_space<hbm>>)
      tpu.yield
    }) : () -> ()
    return
  }
}

#map = affine_map<(d0, d1) -> (0, 0)>
#map1 = affine_map<(d0, d1) -> (0)>
module attributes {stable_mosaic.version = 14 : i64} {
  func.func @_seg_body(%arg0: i32, %arg1: i32, %arg2: memref<51200x128xf32, #tpu.memory_space<hbm>>, %arg3: memref<2560x128xi32, #tpu.memory_space<hbm>>, %arg4: memref<2560x128xi32, #tpu.memory_space<hbm>>, %arg5: memref<128x128xf32, #tpu.memory_space<hbm>>, %arg6: memref<128xf32, #tpu.memory_space<hbm>>, %arg7: memref<20480x128xf32, #tpu.memory_space<hbm>>, %arg8: memref<80x128xi32, #tpu.memory_space<vmem>>, %arg9: memref<80x128xi32, #tpu.memory_space<vmem>>, %arg10: memref<128x128xf32, #tpu.memory_space<vmem>>, %arg11: memref<128xf32, #tpu.memory_space<vmem>>, %arg12: memref<10240x128xf32, #tpu.memory_space<vmem_shared>>, %arg13: memref<!tpu.dma_semaphore, #tpu.memory_space<semaphore_mem>>) attributes {dimension_semantics = [#tpu.dimension_semantics<core_parallel>, #tpu.dimension_semantics<subcore_parallel>], iteration_bounds = array<i64: 2, 16>, scalar_prefetch = 0 : i64, scratch_operands = 6 : i64, tpu.core_type = #tpu.core_type<sc_vector_subcore>, window_params = [{transform_indices = #map}, {transform_indices = #map}, {transform_indices = #map}, {transform_indices = #map}, {transform_indices = #map1}, {transform_indices = #map}]} {
    %mul3A = arith.constant 16 : i32
    %mul3A_0 = arith.muli %arg0, %mul3A : i32
    %add3A = arith.addi %mul3A_0, %arg1 : i32
    %mul3A_1 = arith.constant 80 : i32
    %mul3A_2 = arith.muli %add3A, %mul3A_1 : i32
    "tpu.region"() ({
      %run_scoped3A = tpu.sem_alloc : memref<!tpu.dma_semaphore, #tpu.memory_space<semaphore_mem>>
      tpu.enqueue_dma source(%arg5 : memref<128x128xf32, #tpu.memory_space<hbm>>) target(%arg10 : memref<128x128xf32, #tpu.memory_space<vmem>>) target_semaphore(%run_scoped3A : memref<!tpu.dma_semaphore, #tpu.memory_space<semaphore_mem>>)
      tpu.wait_dma2 semaphore(%run_scoped3A : memref<!tpu.dma_semaphore, #tpu.memory_space<semaphore_mem>>) src(%arg5 : memref<128x128xf32, #tpu.memory_space<hbm>>) dst(%arg10 : memref<128x128xf32, #tpu.memory_space<vmem>>)
      tpu.yield
    }) : () -> ()
    "tpu.region"() ({
      %run_scoped3A = tpu.sem_alloc : memref<!tpu.dma_semaphore, #tpu.memory_space<semaphore_mem>>
      tpu.enqueue_dma source(%arg6 : memref<128xf32, #tpu.memory_space<hbm>>) target(%arg11 : memref<128xf32, #tpu.memory_space<vmem>>) target_semaphore(%run_scoped3A : memref<!tpu.dma_semaphore, #tpu.memory_space<semaphore_mem>>)
      tpu.wait_dma2 semaphore(%run_scoped3A : memref<!tpu.dma_semaphore, #tpu.memory_space<semaphore_mem>>) src(%arg6 : memref<128xf32, #tpu.memory_space<hbm>>) dst(%arg11 : memref<128xf32, #tpu.memory_space<vmem>>)
      tpu.yield
    }) : () -> ()
    %mul3A_3 = arith.constant 640 : i32
    %mul3A_4 = arith.muli %arg1, %mul3A_3 : i32
    %add3A_5 = arith.constant 0 : i32
    %add3A_6 = arith.addi %mul3A_4, %add3A_5 : i32
    "tpu.region"() ({
      %run_scoped3A = tpu.sem_alloc : memref<!tpu.dma_semaphore, #tpu.memory_space<semaphore_mem>>
      %dma_start3A = arith.constant 0 : i32
      %dma_start3A_36 = tpu.memref_slice %arg12[%add3A_6, %dma_start3A] : memref<10240x128xf32, #tpu.memory_space<vmem_shared>> -> memref<128x128xf32, #tpu.memory_space<vmem_shared>>
      %dma_start3A_37 = arith.constant 0 : i32
      %dma_start3A_38 = tpu.memref_slice %arg12[%add3A_6, %dma_start3A_37] : memref<10240x128xf32, #tpu.memory_space<vmem_shared>> -> memref<128x128xf32, #tpu.memory_space<vmem_shared>>
      tpu.enqueue_dma source(%arg10 : memref<128x128xf32, #tpu.memory_space<vmem>>) target(%dma_start3A_38 : memref<128x128xf32, #tpu.memory_space<vmem_shared>>) target_semaphore(%run_scoped3A : memref<!tpu.dma_semaphore, #tpu.memory_space<semaphore_mem>>)
      %dma_wait3A = arith.constant 0 : i32
      %dma_wait3A_39 = tpu.memref_slice %arg12[%add3A_6, %dma_wait3A] : memref<10240x128xf32, #tpu.memory_space<vmem_shared>> -> memref<128x128xf32, #tpu.memory_space<vmem_shared>>
      %dma_wait3A_40 = arith.constant 0 : i32
      %dma_wait3A_41 = tpu.memref_slice %arg12[%add3A_6, %dma_wait3A_40] : memref<10240x128xf32, #tpu.memory_space<vmem_shared>> -> memref<128x128xf32, #tpu.memory_space<vmem_shared>>
      tpu.wait_dma2 semaphore(%run_scoped3A : memref<!tpu.dma_semaphore, #tpu.memory_space<semaphore_mem>>) src(%arg10 : memref<128x128xf32, #tpu.memory_space<vmem>>) dst(%dma_wait3A_41 : memref<128x128xf32, #tpu.memory_space<vmem_shared>>)
      tpu.yield
    }) : () -> ()
    %mul3A_7 = arith.constant 640 : i32
    %mul3A_8 = arith.muli %arg1, %mul3A_7 : i32
    %add3A_9 = arith.constant 128 : i32
    %add3A_10 = arith.addi %mul3A_8, %add3A_9 : i32
    "tpu.region"() ({
      %run_scoped3A = tpu.sem_alloc : memref<!tpu.dma_semaphore, #tpu.memory_space<semaphore_mem>>
      %dma_start3A = arith.constant 0 : i32
      %dma_start3A_36 = tpu.memref_slice %arg12[%add3A_10, %dma_start3A] : memref<10240x128xf32, #tpu.memory_space<vmem_shared>> -> memref<128x128xf32, #tpu.memory_space<vmem_shared>>
      %dma_start3A_37 = arith.constant 0 : i32
      %dma_start3A_38 = tpu.memref_slice %arg12[%add3A_10, %dma_start3A_37] : memref<10240x128xf32, #tpu.memory_space<vmem_shared>> -> memref<128x128xf32, #tpu.memory_space<vmem_shared>>
      tpu.enqueue_dma source(%arg10 : memref<128x128xf32, #tpu.memory_space<vmem>>) target(%dma_start3A_38 : memref<128x128xf32, #tpu.memory_space<vmem_shared>>) target_semaphore(%run_scoped3A : memref<!tpu.dma_semaphore, #tpu.memory_space<semaphore_mem>>)
      %dma_wait3A = arith.constant 0 : i32
      %dma_wait3A_39 = tpu.memref_slice %arg12[%add3A_10, %dma_wait3A] : memref<10240x128xf32, #tpu.memory_space<vmem_shared>> -> memref<128x128xf32, #tpu.memory_space<vmem_shared>>
      %dma_wait3A_40 = arith.constant 0 : i32
      %dma_wait3A_41 = tpu.memref_slice %arg12[%add3A_10, %dma_wait3A_40] : memref<10240x128xf32, #tpu.memory_space<vmem_shared>> -> memref<128x128xf32, #tpu.memory_space<vmem_shared>>
      tpu.wait_dma2 semaphore(%run_scoped3A : memref<!tpu.dma_semaphore, #tpu.memory_space<semaphore_mem>>) src(%arg10 : memref<128x128xf32, #tpu.memory_space<vmem>>) dst(%dma_wait3A_41 : memref<128x128xf32, #tpu.memory_space<vmem_shared>>)
      tpu.yield
    }) : () -> ()
    %mul3A_11 = arith.constant 640 : i32
    %mul3A_12 = arith.muli %arg1, %mul3A_11 : i32
    %add3A_13 = arith.constant 256 : i32
    %add3A_14 = arith.addi %mul3A_12, %add3A_13 : i32
    "tpu.region"() ({
      %run_scoped3A = tpu.sem_alloc : memref<!tpu.dma_semaphore, #tpu.memory_space<semaphore_mem>>
      %dma_start3A = arith.constant 0 : i32
      %dma_start3A_36 = tpu.memref_slice %arg12[%add3A_14, %dma_start3A] : memref<10240x128xf32, #tpu.memory_space<vmem_shared>> -> memref<128x128xf32, #tpu.memory_space<vmem_shared>>
      %dma_start3A_37 = arith.constant 0 : i32
      %dma_start3A_38 = tpu.memref_slice %arg12[%add3A_14, %dma_start3A_37] : memref<10240x128xf32, #tpu.memory_space<vmem_shared>> -> memref<128x128xf32, #tpu.memory_space<vmem_shared>>
      tpu.enqueue_dma source(%arg10 : memref<128x128xf32, #tpu.memory_space<vmem>>) target(%dma_start3A_38 : memref<128x128xf32, #tpu.memory_space<vmem_shared>>) target_semaphore(%run_scoped3A : memref<!tpu.dma_semaphore, #tpu.memory_space<semaphore_mem>>)
      %dma_wait3A = arith.constant 0 : i32
      %dma_wait3A_39 = tpu.memref_slice %arg12[%add3A_14, %dma_wait3A] : memref<10240x128xf32, #tpu.memory_space<vmem_shared>> -> memref<128x128xf32, #tpu.memory_space<vmem_shared>>
      %dma_wait3A_40 = arith.constant 0 : i32
      %dma_wait3A_41 = tpu.memref_slice %arg12[%add3A_14, %dma_wait3A_40] : memref<10240x128xf32, #tpu.memory_space<vmem_shared>> -> memref<128x128xf32, #tpu.memory_space<vmem_shared>>
      tpu.wait_dma2 semaphore(%run_scoped3A : memref<!tpu.dma_semaphore, #tpu.memory_space<semaphore_mem>>) src(%arg10 : memref<128x128xf32, #tpu.memory_space<vmem>>) dst(%dma_wait3A_41 : memref<128x128xf32, #tpu.memory_space<vmem_shared>>)
      tpu.yield
    }) : () -> ()
    %mul3A_15 = arith.constant 640 : i32
    %mul3A_16 = arith.muli %arg1, %mul3A_15 : i32
    %add3A_17 = arith.constant 384 : i32
    %add3A_18 = arith.addi %mul3A_16, %add3A_17 : i32
    "tpu.region"() ({
      %run_scoped3A = tpu.sem_alloc : memref<!tpu.dma_semaphore, #tpu.memory_space<semaphore_mem>>
      %dma_start3A = arith.constant 0 : i32
      %dma_start3A_36 = tpu.memref_slice %arg12[%add3A_18, %dma_start3A] : memref<10240x128xf32, #tpu.memory_space<vmem_shared>> -> memref<128x128xf32, #tpu.memory_space<vmem_shared>>
      %dma_start3A_37 = arith.constant 0 : i32
      %dma_start3A_38 = tpu.memref_slice %arg12[%add3A_18, %dma_start3A_37] : memref<10240x128xf32, #tpu.memory_space<vmem_shared>> -> memref<128x128xf32, #tpu.memory_space<vmem_shared>>
      tpu.enqueue_dma source(%arg10 : memref<128x128xf32, #tpu.memory_space<vmem>>) target(%dma_start3A_38 : memref<128x128xf32, #tpu.memory_space<vmem_shared>>) target_semaphore(%run_scoped3A : memref<!tpu.dma_semaphore, #tpu.memory_space<semaphore_mem>>)
      %dma_wait3A = arith.constant 0 : i32
      %dma_wait3A_39 = tpu.memref_slice %arg12[%add3A_18, %dma_wait3A] : memref<10240x128xf32, #tpu.memory_space<vmem_shared>> -> memref<128x128xf32, #tpu.memory_space<vmem_shared>>
      %dma_wait3A_40 = arith.constant 0 : i32
      %dma_wait3A_41 = tpu.memref_slice %arg12[%add3A_18, %dma_wait3A_40] : memref<10240x128xf32, #tpu.memory_space<vmem_shared>> -> memref<128x128xf32, #tpu.memory_space<vmem_shared>>
      tpu.wait_dma2 semaphore(%run_scoped3A : memref<!tpu.dma_semaphore, #tpu.memory_space<semaphore_mem>>) src(%arg10 : memref<128x128xf32, #tpu.memory_space<vmem>>) dst(%dma_wait3A_41 : memref<128x128xf32, #tpu.memory_space<vmem_shared>>)
      tpu.yield
    }) : () -> ()
    %mul3A_19 = arith.constant 640 : i32
    %mul3A_20 = arith.muli %arg1, %mul3A_19 : i32
    %add3A_21 = arith.constant 512 : i32
    %add3A_22 = arith.addi %mul3A_20, %add3A_21 : i32
    "tpu.region"() ({
      %run_scoped3A = tpu.sem_alloc : memref<!tpu.dma_semaphore, #tpu.memory_space<semaphore_mem>>
      %dma_start3A = arith.constant 0 : i32
      %dma_start3A_36 = tpu.memref_slice %arg12[%add3A_22, %dma_start3A] : memref<10240x128xf32, #tpu.memory_space<vmem_shared>> -> memref<128x128xf32, #tpu.memory_space<vmem_shared>>
      %dma_start3A_37 = arith.constant 0 : i32
      %dma_start3A_38 = tpu.memref_slice %arg12[%add3A_22, %dma_start3A_37] : memref<10240x128xf32, #tpu.memory_space<vmem_shared>> -> memref<128x128xf32, #tpu.memory_space<vmem_shared>>
      tpu.enqueue_dma source(%arg10 : memref<128x128xf32, #tpu.memory_space<vmem>>) target(%dma_start3A_38 : memref<128x128xf32, #tpu.memory_space<vmem_shared>>) target_semaphore(%run_scoped3A : memref<!tpu.dma_semaphore, #tpu.memory_space<semaphore_mem>>)
      %dma_wait3A = arith.constant 0 : i32
      %dma_wait3A_39 = tpu.memref_slice %arg12[%add3A_22, %dma_wait3A] : memref<10240x128xf32, #tpu.memory_space<vmem_shared>> -> memref<128x128xf32, #tpu.memory_space<vmem_shared>>
      %dma_wait3A_40 = arith.constant 0 : i32
      %dma_wait3A_41 = tpu.memref_slice %arg12[%add3A_22, %dma_wait3A_40] : memref<10240x128xf32, #tpu.memory_space<vmem_shared>> -> memref<128x128xf32, #tpu.memory_space<vmem_shared>>
      tpu.wait_dma2 semaphore(%run_scoped3A : memref<!tpu.dma_semaphore, #tpu.memory_space<semaphore_mem>>) src(%arg10 : memref<128x128xf32, #tpu.memory_space<vmem>>) dst(%dma_wait3A_41 : memref<128x128xf32, #tpu.memory_space<vmem_shared>>)
      tpu.yield
    }) : () -> ()
    "tpu.region"() ({
      %run_scoped3A = tpu.sem_alloc : memref<!tpu.dma_semaphore, #tpu.memory_space<semaphore_mem>>
      %dma_start3A = arith.constant 0 : i32
      %dma_start3A_36 = tpu.memref_slice %arg3[%mul3A_2, %dma_start3A] : memref<2560x128xi32, #tpu.memory_space<hbm>> -> memref<80x128xi32, #tpu.memory_space<hbm>>
      %dma_start3A_37 = arith.constant 0 : i32
      %dma_start3A_38 = tpu.memref_slice %arg3[%mul3A_2, %dma_start3A_37] : memref<2560x128xi32, #tpu.memory_space<hbm>> -> memref<80x128xi32, #tpu.memory_space<hbm>>
      tpu.enqueue_dma source(%dma_start3A_38 : memref<80x128xi32, #tpu.memory_space<hbm>>) target(%arg8 : memref<80x128xi32, #tpu.memory_space<vmem>>) target_semaphore(%run_scoped3A : memref<!tpu.dma_semaphore, #tpu.memory_space<semaphore_mem>>)
      %dma_wait3A = arith.constant 0 : i32
      %dma_wait3A_39 = tpu.memref_slice %arg3[%mul3A_2, %dma_wait3A] : memref<2560x128xi32, #tpu.memory_space<hbm>> -> memref<80x128xi32, #tpu.memory_space<hbm>>
      %dma_wait3A_40 = arith.constant 0 : i32
      %dma_wait3A_41 = tpu.memref_slice %arg3[%mul3A_2, %dma_wait3A_40] : memref<2560x128xi32, #tpu.memory_space<hbm>> -> memref<80x128xi32, #tpu.memory_space<hbm>>
      tpu.wait_dma2 semaphore(%run_scoped3A : memref<!tpu.dma_semaphore, #tpu.memory_space<semaphore_mem>>) src(%dma_wait3A_41 : memref<80x128xi32, #tpu.memory_space<hbm>>) dst(%arg8 : memref<80x128xi32, #tpu.memory_space<vmem>>)
      tpu.yield
    }) : () -> ()
    "tpu.region"() ({
      %run_scoped3A = tpu.sem_alloc : memref<!tpu.dma_semaphore, #tpu.memory_space<semaphore_mem>>
      %dma_start3A = arith.constant 0 : i32
      %dma_start3A_36 = tpu.memref_slice %arg4[%mul3A_2, %dma_start3A] : memref<2560x128xi32, #tpu.memory_space<hbm>> -> memref<80x128xi32, #tpu.memory_space<hbm>>
      %dma_start3A_37 = arith.constant 0 : i32
      %dma_start3A_38 = tpu.memref_slice %arg4[%mul3A_2, %dma_start3A_37] : memref<2560x128xi32, #tpu.memory_space<hbm>> -> memref<80x128xi32, #tpu.memory_space<hbm>>
      tpu.enqueue_dma source(%dma_start3A_38 : memref<80x128xi32, #tpu.memory_space<hbm>>) target(%arg9 : memref<80x128xi32, #tpu.memory_space<vmem>>) target_semaphore(%run_scoped3A : memref<!tpu.dma_semaphore, #tpu.memory_space<semaphore_mem>>)
      %dma_wait3A = arith.constant 0 : i32
      %dma_wait3A_39 = tpu.memref_slice %arg4[%mul3A_2, %dma_wait3A] : memref<2560x128xi32, #tpu.memory_space<hbm>> -> memref<80x128xi32, #tpu.memory_space<hbm>>
      %dma_wait3A_40 = arith.constant 0 : i32
      %dma_wait3A_41 = tpu.memref_slice %arg4[%mul3A_2, %dma_wait3A_40] : memref<2560x128xi32, #tpu.memory_space<hbm>> -> memref<80x128xi32, #tpu.memory_space<hbm>>
      tpu.wait_dma2 semaphore(%run_scoped3A : memref<!tpu.dma_semaphore, #tpu.memory_space<semaphore_mem>>) src(%dma_wait3A_41 : memref<80x128xi32, #tpu.memory_space<hbm>>) dst(%arg9 : memref<80x128xi32, #tpu.memory_space<vmem>>)
      tpu.yield
    }) : () -> ()
    %barrier3A = arith.constant 0 : index
    tpu.barrier barrier_id(%barrier3A)
    %scan3A = arith.constant 0 : i32
    %scan3A_23 = arith.constant 0 : i32
    %scan3A_24 = arith.constant 80 : i32
    %scan3A_25 = arith.addi %scan3A_23, %scan3A_24 : i32
    %scan3A_26 = arith.constant 1 : i32
    scf.for %scan3A_36 = %scan3A_23 to %scan3A_25 step %scan3A_26  : i32 {
      %dma_start3A = arith.constant 0 : i32
      %dma_start3A_37 = tpu.memref_slice %arg8[%scan3A_36, %dma_start3A] : memref<80x128xi32, #tpu.memory_space<vmem>> -> memref<1x128xi32, #tpu.memory_space<vmem>>
      %dma_start3A_38 = tpu.memref_squeeze %dma_start3A_37 : memref<1x128xi32, #tpu.memory_space<vmem>> -> memref<128xi32, #tpu.memory_space<vmem>>
      %dma_start3A_39 = arith.constant 0 : i32
      %dma_start3A_40 = arith.constant 0 : i32
      %dma_start3A_41 = tpu.memref_slice %arg2[%dma_start3A_39, %dma_start3A_40] : memref<51200x128xf32, #tpu.memory_space<hbm>> -> memref<51200x128xf32, #tpu.memory_space<hbm>>
      tpu.enqueue_indirect_dma source(%dma_start3A_41 : memref<51200x128xf32, #tpu.memory_space<hbm>>) target(%arg10 : memref<128x128xf32, #tpu.memory_space<vmem>>) offsets(%dma_start3A_38 : memref<128xi32, #tpu.memory_space<vmem>>) semaphore(%arg13 : memref<!tpu.dma_semaphore, #tpu.memory_space<semaphore_mem>>)
      %dma_wait3A = arith.constant 0 : i32
      %dma_wait3A_42 = tpu.memref_slice %arg8[%scan3A_36, %dma_wait3A] : memref<80x128xi32, #tpu.memory_space<vmem>> -> memref<1x128xi32, #tpu.memory_space<vmem>>
      %dma_wait3A_43 = tpu.memref_squeeze %dma_wait3A_42 : memref<1x128xi32, #tpu.memory_space<vmem>> -> memref<128xi32, #tpu.memory_space<vmem>>
      %dma_wait3A_44 = arith.constant 0 : i32
      %dma_wait3A_45 = arith.constant 0 : i32
      %dma_wait3A_46 = tpu.memref_slice %arg2[%dma_wait3A_44, %dma_wait3A_45] : memref<51200x128xf32, #tpu.memory_space<hbm>> -> memref<51200x128xf32, #tpu.memory_space<hbm>>
      tpu.wait_indirect_dma semaphore(%arg13 : memref<!tpu.dma_semaphore, #tpu.memory_space<semaphore_mem>>) src(%dma_wait3A_46 : memref<51200x128xf32, #tpu.memory_space<hbm>>) dst(%arg10 : memref<128x128xf32, #tpu.memory_space<vmem>>)
      "tpu.region"() ({
        %run_scoped3A = tpu.sem_alloc : memref<!tpu.dma_semaphore, #tpu.memory_space<semaphore_mem>>
        %dma_start3A_47 = arith.constant 0 : i32
        %dma_start3A_48 = tpu.memref_slice %arg9[%scan3A_36, %dma_start3A_47] : memref<80x128xi32, #tpu.memory_space<vmem>> -> memref<1x128xi32, #tpu.memory_space<vmem>>
        %dma_start3A_49 = tpu.memref_squeeze %dma_start3A_48 : memref<1x128xi32, #tpu.memory_space<vmem>> -> memref<128xi32, #tpu.memory_space<vmem>>
        %dma_start3A_50 = arith.constant 0 : i32
        %dma_start3A_51 = arith.constant 0 : i32
        %dma_start3A_52 = tpu.memref_slice %arg12[%dma_start3A_50, %dma_start3A_51] : memref<10240x128xf32, #tpu.memory_space<vmem_shared>> -> memref<10240x128xf32, #tpu.memory_space<vmem_shared>>
        tpu.enqueue_indirect_dma source(%arg10 : memref<128x128xf32, #tpu.memory_space<vmem>>) target(%dma_start3A_52 : memref<10240x128xf32, #tpu.memory_space<vmem_shared>>) offsets(%dma_start3A_49 : memref<128xi32, #tpu.memory_space<vmem>>) semaphore(%run_scoped3A : memref<!tpu.dma_semaphore, #tpu.memory_space<semaphore_mem>>) {add = true}
        %dma_wait3A_53 = arith.constant 0 : i32
        %dma_wait3A_54 = tpu.memref_slice %arg9[%scan3A_36, %dma_wait3A_53] : memref<80x128xi32, #tpu.memory_space<vmem>> -> memref<1x128xi32, #tpu.memory_space<vmem>>
        %dma_wait3A_55 = tpu.memref_squeeze %dma_wait3A_54 : memref<1x128xi32, #tpu.memory_space<vmem>> -> memref<128xi32, #tpu.memory_space<vmem>>
        %dma_wait3A_56 = arith.constant 0 : i32
        %dma_wait3A_57 = arith.constant 0 : i32
        %dma_wait3A_58 = tpu.memref_slice %arg12[%dma_wait3A_56, %dma_wait3A_57] : memref<10240x128xf32, #tpu.memory_space<vmem_shared>> -> memref<10240x128xf32, #tpu.memory_space<vmem_shared>>
        tpu.wait_indirect_dma semaphore(%run_scoped3A : memref<!tpu.dma_semaphore, #tpu.memory_space<semaphore_mem>>) src(%arg10 : memref<128x128xf32, #tpu.memory_space<vmem>>) dst(%dma_wait3A_58 : memref<10240x128xf32, #tpu.memory_space<vmem_shared>>)
        tpu.yield
      }) : () -> ()
    }
    %scan3A_27 = arith.constant 80 : i32
    %barrier3A_28 = arith.constant 0 : index
    tpu.barrier barrier_id(%barrier3A_28)
    %mul3A_29 = arith.constant 10240 : i32
    %mul3A_30 = arith.muli %arg0, %mul3A_29 : i32
    %mul3A_31 = arith.constant 640 : i32
    %mul3A_32 = arith.muli %arg1, %mul3A_31 : i32
    %add3A_33 = arith.addi %mul3A_30, %mul3A_32 : i32
    %mul3A_34 = arith.constant 640 : i32
    %mul3A_35 = arith.muli %arg1, %mul3A_34 : i32
    "tpu.region"() ({
      %run_scoped3A = tpu.sem_alloc : memref<!tpu.dma_semaphore, #tpu.memory_space<semaphore_mem>>
      %dma_start3A = arith.constant 0 : i32
      %dma_start3A_36 = tpu.memref_slice %arg7[%add3A_33, %dma_start3A] : memref<20480x128xf32, #tpu.memory_space<hbm>> -> memref<640x128xf32, #tpu.memory_space<hbm>>
      %dma_start3A_37 = arith.constant 0 : i32
      %dma_start3A_38 = tpu.memref_slice %arg12[%mul3A_35, %dma_start3A_37] : memref<10240x128xf32, #tpu.memory_space<vmem_shared>> -> memref<640x128xf32, #tpu.memory_space<vmem_shared>>
      tpu.enqueue_dma source(%dma_start3A_38 : memref<640x128xf32, #tpu.memory_space<vmem_shared>>) target(%dma_start3A_36 : memref<640x128xf32, #tpu.memory_space<hbm>>) target_semaphore(%run_scoped3A : memref<!tpu.dma_semaphore, #tpu.memory_space<semaphore_mem>>)
      %dma_wait3A = arith.constant 0 : i32
      %dma_wait3A_39 = tpu.memref_slice %arg7[%add3A_33, %dma_wait3A] : memref<20480x128xf32, #tpu.memory_space<hbm>> -> memref<640x128xf32, #tpu.memory_space<hbm>>
      %dma_wait3A_40 = arith.constant 0 : i32
      %dma_wait3A_41 = tpu.memref_slice %arg12[%mul3A_35, %dma_wait3A_40] : memref<10240x128xf32, #tpu.memory_space<vmem_shared>> -> memref<640x128xf32, #tpu.memory_space<vmem_shared>>
      tpu.wait_dma2 semaphore(%run_scoped3A : memref<!tpu.dma_semaphore, #tpu.memory_space<semaphore_mem>>) src(%dma_wait3A_41 : memref<640x128xf32, #tpu.memory_space<vmem_shared>>) dst(%dma_wait3A_39 : memref<640x128xf32, #tpu.memory_space<hbm>>)
      tpu.yield
    }) : () -> ()
    return
  }
}

#map = affine_map<(d0, d1) -> (0, 0)>
#map1 = affine_map<(d0, d1) -> (0)>
module attributes {stable_mosaic.version = 14 : i64} {
  func.func @_seg_body(%arg0: i32, %arg1: i32, %arg2: memref<10240x128xf32, #tpu.memory_space<hbm>>, %arg3: memref<2560x128xi32, #tpu.memory_space<hbm>>, %arg4: memref<2560x128xi32, #tpu.memory_space<hbm>>, %arg5: memref<128x128xf32, #tpu.memory_space<hbm>>, %arg6: memref<128xf32, #tpu.memory_space<hbm>>, %arg7: memref<20480x128xf32, #tpu.memory_space<hbm>>, %arg8: memref<80x128xi32, #tpu.memory_space<vmem>>, %arg9: memref<80x128xi32, #tpu.memory_space<vmem>>, %arg10: memref<128x128xf32, #tpu.memory_space<vmem>>, %arg11: memref<128xf32, #tpu.memory_space<vmem>>, %arg12: memref<10240x128xf32, #tpu.memory_space<vmem_shared>>, %arg13: memref<!tpu.dma_semaphore, #tpu.memory_space<semaphore_mem>>) attributes {dimension_semantics = [#tpu.dimension_semantics<core_parallel>, #tpu.dimension_semantics<subcore_parallel>], iteration_bounds = array<i64: 2, 16>, scalar_prefetch = 0 : i64, scratch_operands = 6 : i64, tpu.core_type = #tpu.core_type<sc_vector_subcore>, window_params = [{transform_indices = #map}, {transform_indices = #map}, {transform_indices = #map}, {transform_indices = #map}, {transform_indices = #map1}, {transform_indices = #map}]} {
    %mul3A = arith.constant 16 : i32
    %mul3A_0 = arith.muli %arg0, %mul3A : i32
    %add3A = arith.addi %mul3A_0, %arg1 : i32
    %mul3A_1 = arith.constant 80 : i32
    %mul3A_2 = arith.muli %add3A, %mul3A_1 : i32
    "tpu.region"() ({
      %run_scoped3A = tpu.sem_alloc : memref<!tpu.dma_semaphore, #tpu.memory_space<semaphore_mem>>
      tpu.enqueue_dma source(%arg5 : memref<128x128xf32, #tpu.memory_space<hbm>>) target(%arg10 : memref<128x128xf32, #tpu.memory_space<vmem>>) target_semaphore(%run_scoped3A : memref<!tpu.dma_semaphore, #tpu.memory_space<semaphore_mem>>)
      tpu.wait_dma2 semaphore(%run_scoped3A : memref<!tpu.dma_semaphore, #tpu.memory_space<semaphore_mem>>) src(%arg5 : memref<128x128xf32, #tpu.memory_space<hbm>>) dst(%arg10 : memref<128x128xf32, #tpu.memory_space<vmem>>)
      tpu.yield
    }) : () -> ()
    "tpu.region"() ({
      %run_scoped3A = tpu.sem_alloc : memref<!tpu.dma_semaphore, #tpu.memory_space<semaphore_mem>>
      tpu.enqueue_dma source(%arg6 : memref<128xf32, #tpu.memory_space<hbm>>) target(%arg11 : memref<128xf32, #tpu.memory_space<vmem>>) target_semaphore(%run_scoped3A : memref<!tpu.dma_semaphore, #tpu.memory_space<semaphore_mem>>)
      tpu.wait_dma2 semaphore(%run_scoped3A : memref<!tpu.dma_semaphore, #tpu.memory_space<semaphore_mem>>) src(%arg6 : memref<128xf32, #tpu.memory_space<hbm>>) dst(%arg11 : memref<128xf32, #tpu.memory_space<vmem>>)
      tpu.yield
    }) : () -> ()
    %mul3A_3 = arith.constant 640 : i32
    %mul3A_4 = arith.muli %arg1, %mul3A_3 : i32
    %add3A_5 = arith.constant 0 : i32
    %add3A_6 = arith.addi %mul3A_4, %add3A_5 : i32
    "tpu.region"() ({
      %run_scoped3A = tpu.sem_alloc : memref<!tpu.dma_semaphore, #tpu.memory_space<semaphore_mem>>
      %dma_start3A = arith.constant 0 : i32
      %dma_start3A_36 = tpu.memref_slice %arg12[%add3A_6, %dma_start3A] : memref<10240x128xf32, #tpu.memory_space<vmem_shared>> -> memref<128x128xf32, #tpu.memory_space<vmem_shared>>
      %dma_start3A_37 = arith.constant 0 : i32
      %dma_start3A_38 = tpu.memref_slice %arg12[%add3A_6, %dma_start3A_37] : memref<10240x128xf32, #tpu.memory_space<vmem_shared>> -> memref<128x128xf32, #tpu.memory_space<vmem_shared>>
      tpu.enqueue_dma source(%arg10 : memref<128x128xf32, #tpu.memory_space<vmem>>) target(%dma_start3A_38 : memref<128x128xf32, #tpu.memory_space<vmem_shared>>) target_semaphore(%run_scoped3A : memref<!tpu.dma_semaphore, #tpu.memory_space<semaphore_mem>>)
      %dma_wait3A = arith.constant 0 : i32
      %dma_wait3A_39 = tpu.memref_slice %arg12[%add3A_6, %dma_wait3A] : memref<10240x128xf32, #tpu.memory_space<vmem_shared>> -> memref<128x128xf32, #tpu.memory_space<vmem_shared>>
      %dma_wait3A_40 = arith.constant 0 : i32
      %dma_wait3A_41 = tpu.memref_slice %arg12[%add3A_6, %dma_wait3A_40] : memref<10240x128xf32, #tpu.memory_space<vmem_shared>> -> memref<128x128xf32, #tpu.memory_space<vmem_shared>>
      tpu.wait_dma2 semaphore(%run_scoped3A : memref<!tpu.dma_semaphore, #tpu.memory_space<semaphore_mem>>) src(%arg10 : memref<128x128xf32, #tpu.memory_space<vmem>>) dst(%dma_wait3A_41 : memref<128x128xf32, #tpu.memory_space<vmem_shared>>)
      tpu.yield
    }) : () -> ()
    %mul3A_7 = arith.constant 640 : i32
    %mul3A_8 = arith.muli %arg1, %mul3A_7 : i32
    %add3A_9 = arith.constant 128 : i32
    %add3A_10 = arith.addi %mul3A_8, %add3A_9 : i32
    "tpu.region"() ({
      %run_scoped3A = tpu.sem_alloc : memref<!tpu.dma_semaphore, #tpu.memory_space<semaphore_mem>>
      %dma_start3A = arith.constant 0 : i32
      %dma_start3A_36 = tpu.memref_slice %arg12[%add3A_10, %dma_start3A] : memref<10240x128xf32, #tpu.memory_space<vmem_shared>> -> memref<128x128xf32, #tpu.memory_space<vmem_shared>>
      %dma_start3A_37 = arith.constant 0 : i32
      %dma_start3A_38 = tpu.memref_slice %arg12[%add3A_10, %dma_start3A_37] : memref<10240x128xf32, #tpu.memory_space<vmem_shared>> -> memref<128x128xf32, #tpu.memory_space<vmem_shared>>
      tpu.enqueue_dma source(%arg10 : memref<128x128xf32, #tpu.memory_space<vmem>>) target(%dma_start3A_38 : memref<128x128xf32, #tpu.memory_space<vmem_shared>>) target_semaphore(%run_scoped3A : memref<!tpu.dma_semaphore, #tpu.memory_space<semaphore_mem>>)
      %dma_wait3A = arith.constant 0 : i32
      %dma_wait3A_39 = tpu.memref_slice %arg12[%add3A_10, %dma_wait3A] : memref<10240x128xf32, #tpu.memory_space<vmem_shared>> -> memref<128x128xf32, #tpu.memory_space<vmem_shared>>
      %dma_wait3A_40 = arith.constant 0 : i32
      %dma_wait3A_41 = tpu.memref_slice %arg12[%add3A_10, %dma_wait3A_40] : memref<10240x128xf32, #tpu.memory_space<vmem_shared>> -> memref<128x128xf32, #tpu.memory_space<vmem_shared>>
      tpu.wait_dma2 semaphore(%run_scoped3A : memref<!tpu.dma_semaphore, #tpu.memory_space<semaphore_mem>>) src(%arg10 : memref<128x128xf32, #tpu.memory_space<vmem>>) dst(%dma_wait3A_41 : memref<128x128xf32, #tpu.memory_space<vmem_shared>>)
      tpu.yield
    }) : () -> ()
    %mul3A_11 = arith.constant 640 : i32
    %mul3A_12 = arith.muli %arg1, %mul3A_11 : i32
    %add3A_13 = arith.constant 256 : i32
    %add3A_14 = arith.addi %mul3A_12, %add3A_13 : i32
    "tpu.region"() ({
      %run_scoped3A = tpu.sem_alloc : memref<!tpu.dma_semaphore, #tpu.memory_space<semaphore_mem>>
      %dma_start3A = arith.constant 0 : i32
      %dma_start3A_36 = tpu.memref_slice %arg12[%add3A_14, %dma_start3A] : memref<10240x128xf32, #tpu.memory_space<vmem_shared>> -> memref<128x128xf32, #tpu.memory_space<vmem_shared>>
      %dma_start3A_37 = arith.constant 0 : i32
      %dma_start3A_38 = tpu.memref_slice %arg12[%add3A_14, %dma_start3A_37] : memref<10240x128xf32, #tpu.memory_space<vmem_shared>> -> memref<128x128xf32, #tpu.memory_space<vmem_shared>>
      tpu.enqueue_dma source(%arg10 : memref<128x128xf32, #tpu.memory_space<vmem>>) target(%dma_start3A_38 : memref<128x128xf32, #tpu.memory_space<vmem_shared>>) target_semaphore(%run_scoped3A : memref<!tpu.dma_semaphore, #tpu.memory_space<semaphore_mem>>)
      %dma_wait3A = arith.constant 0 : i32
      %dma_wait3A_39 = tpu.memref_slice %arg12[%add3A_14, %dma_wait3A] : memref<10240x128xf32, #tpu.memory_space<vmem_shared>> -> memref<128x128xf32, #tpu.memory_space<vmem_shared>>
      %dma_wait3A_40 = arith.constant 0 : i32
      %dma_wait3A_41 = tpu.memref_slice %arg12[%add3A_14, %dma_wait3A_40] : memref<10240x128xf32, #tpu.memory_space<vmem_shared>> -> memref<128x128xf32, #tpu.memory_space<vmem_shared>>
      tpu.wait_dma2 semaphore(%run_scoped3A : memref<!tpu.dma_semaphore, #tpu.memory_space<semaphore_mem>>) src(%arg10 : memref<128x128xf32, #tpu.memory_space<vmem>>) dst(%dma_wait3A_41 : memref<128x128xf32, #tpu.memory_space<vmem_shared>>)
      tpu.yield
    }) : () -> ()
    %mul3A_15 = arith.constant 640 : i32
    %mul3A_16 = arith.muli %arg1, %mul3A_15 : i32
    %add3A_17 = arith.constant 384 : i32
    %add3A_18 = arith.addi %mul3A_16, %add3A_17 : i32
    "tpu.region"() ({
      %run_scoped3A = tpu.sem_alloc : memref<!tpu.dma_semaphore, #tpu.memory_space<semaphore_mem>>
      %dma_start3A = arith.constant 0 : i32
      %dma_start3A_36 = tpu.memref_slice %arg12[%add3A_18, %dma_start3A] : memref<10240x128xf32, #tpu.memory_space<vmem_shared>> -> memref<128x128xf32, #tpu.memory_space<vmem_shared>>
      %dma_start3A_37 = arith.constant 0 : i32
      %dma_start3A_38 = tpu.memref_slice %arg12[%add3A_18, %dma_start3A_37] : memref<10240x128xf32, #tpu.memory_space<vmem_shared>> -> memref<128x128xf32, #tpu.memory_space<vmem_shared>>
      tpu.enqueue_dma source(%arg10 : memref<128x128xf32, #tpu.memory_space<vmem>>) target(%dma_start3A_38 : memref<128x128xf32, #tpu.memory_space<vmem_shared>>) target_semaphore(%run_scoped3A : memref<!tpu.dma_semaphore, #tpu.memory_space<semaphore_mem>>)
      %dma_wait3A = arith.constant 0 : i32
      %dma_wait3A_39 = tpu.memref_slice %arg12[%add3A_18, %dma_wait3A] : memref<10240x128xf32, #tpu.memory_space<vmem_shared>> -> memref<128x128xf32, #tpu.memory_space<vmem_shared>>
      %dma_wait3A_40 = arith.constant 0 : i32
      %dma_wait3A_41 = tpu.memref_slice %arg12[%add3A_18, %dma_wait3A_40] : memref<10240x128xf32, #tpu.memory_space<vmem_shared>> -> memref<128x128xf32, #tpu.memory_space<vmem_shared>>
      tpu.wait_dma2 semaphore(%run_scoped3A : memref<!tpu.dma_semaphore, #tpu.memory_space<semaphore_mem>>) src(%arg10 : memref<128x128xf32, #tpu.memory_space<vmem>>) dst(%dma_wait3A_41 : memref<128x128xf32, #tpu.memory_space<vmem_shared>>)
      tpu.yield
    }) : () -> ()
    %mul3A_19 = arith.constant 640 : i32
    %mul3A_20 = arith.muli %arg1, %mul3A_19 : i32
    %add3A_21 = arith.constant 512 : i32
    %add3A_22 = arith.addi %mul3A_20, %add3A_21 : i32
    "tpu.region"() ({
      %run_scoped3A = tpu.sem_alloc : memref<!tpu.dma_semaphore, #tpu.memory_space<semaphore_mem>>
      %dma_start3A = arith.constant 0 : i32
      %dma_start3A_36 = tpu.memref_slice %arg12[%add3A_22, %dma_start3A] : memref<10240x128xf32, #tpu.memory_space<vmem_shared>> -> memref<128x128xf32, #tpu.memory_space<vmem_shared>>
      %dma_start3A_37 = arith.constant 0 : i32
      %dma_start3A_38 = tpu.memref_slice %arg12[%add3A_22, %dma_start3A_37] : memref<10240x128xf32, #tpu.memory_space<vmem_shared>> -> memref<128x128xf32, #tpu.memory_space<vmem_shared>>
      tpu.enqueue_dma source(%arg10 : memref<128x128xf32, #tpu.memory_space<vmem>>) target(%dma_start3A_38 : memref<128x128xf32, #tpu.memory_space<vmem_shared>>) target_semaphore(%run_scoped3A : memref<!tpu.dma_semaphore, #tpu.memory_space<semaphore_mem>>)
      %dma_wait3A = arith.constant 0 : i32
      %dma_wait3A_39 = tpu.memref_slice %arg12[%add3A_22, %dma_wait3A] : memref<10240x128xf32, #tpu.memory_space<vmem_shared>> -> memref<128x128xf32, #tpu.memory_space<vmem_shared>>
      %dma_wait3A_40 = arith.constant 0 : i32
      %dma_wait3A_41 = tpu.memref_slice %arg12[%add3A_22, %dma_wait3A_40] : memref<10240x128xf32, #tpu.memory_space<vmem_shared>> -> memref<128x128xf32, #tpu.memory_space<vmem_shared>>
      tpu.wait_dma2 semaphore(%run_scoped3A : memref<!tpu.dma_semaphore, #tpu.memory_space<semaphore_mem>>) src(%arg10 : memref<128x128xf32, #tpu.memory_space<vmem>>) dst(%dma_wait3A_41 : memref<128x128xf32, #tpu.memory_space<vmem_shared>>)
      tpu.yield
    }) : () -> ()
    "tpu.region"() ({
      %run_scoped3A = tpu.sem_alloc : memref<!tpu.dma_semaphore, #tpu.memory_space<semaphore_mem>>
      %dma_start3A = arith.constant 0 : i32
      %dma_start3A_36 = tpu.memref_slice %arg3[%mul3A_2, %dma_start3A] : memref<2560x128xi32, #tpu.memory_space<hbm>> -> memref<80x128xi32, #tpu.memory_space<hbm>>
      %dma_start3A_37 = arith.constant 0 : i32
      %dma_start3A_38 = tpu.memref_slice %arg3[%mul3A_2, %dma_start3A_37] : memref<2560x128xi32, #tpu.memory_space<hbm>> -> memref<80x128xi32, #tpu.memory_space<hbm>>
      tpu.enqueue_dma source(%dma_start3A_38 : memref<80x128xi32, #tpu.memory_space<hbm>>) target(%arg8 : memref<80x128xi32, #tpu.memory_space<vmem>>) target_semaphore(%run_scoped3A : memref<!tpu.dma_semaphore, #tpu.memory_space<semaphore_mem>>)
      %dma_wait3A = arith.constant 0 : i32
      %dma_wait3A_39 = tpu.memref_slice %arg3[%mul3A_2, %dma_wait3A] : memref<2560x128xi32, #tpu.memory_space<hbm>> -> memref<80x128xi32, #tpu.memory_space<hbm>>
      %dma_wait3A_40 = arith.constant 0 : i32
      %dma_wait3A_41 = tpu.memref_slice %arg3[%mul3A_2, %dma_wait3A_40] : memref<2560x128xi32, #tpu.memory_space<hbm>> -> memref<80x128xi32, #tpu.memory_space<hbm>>
      tpu.wait_dma2 semaphore(%run_scoped3A : memref<!tpu.dma_semaphore, #tpu.memory_space<semaphore_mem>>) src(%dma_wait3A_41 : memref<80x128xi32, #tpu.memory_space<hbm>>) dst(%arg8 : memref<80x128xi32, #tpu.memory_space<vmem>>)
      tpu.yield
    }) : () -> ()
    "tpu.region"() ({
      %run_scoped3A = tpu.sem_alloc : memref<!tpu.dma_semaphore, #tpu.memory_space<semaphore_mem>>
      %dma_start3A = arith.constant 0 : i32
      %dma_start3A_36 = tpu.memref_slice %arg4[%mul3A_2, %dma_start3A] : memref<2560x128xi32, #tpu.memory_space<hbm>> -> memref<80x128xi32, #tpu.memory_space<hbm>>
      %dma_start3A_37 = arith.constant 0 : i32
      %dma_start3A_38 = tpu.memref_slice %arg4[%mul3A_2, %dma_start3A_37] : memref<2560x128xi32, #tpu.memory_space<hbm>> -> memref<80x128xi32, #tpu.memory_space<hbm>>
      tpu.enqueue_dma source(%dma_start3A_38 : memref<80x128xi32, #tpu.memory_space<hbm>>) target(%arg9 : memref<80x128xi32, #tpu.memory_space<vmem>>) target_semaphore(%run_scoped3A : memref<!tpu.dma_semaphore, #tpu.memory_space<semaphore_mem>>)
      %dma_wait3A = arith.constant 0 : i32
      %dma_wait3A_39 = tpu.memref_slice %arg4[%mul3A_2, %dma_wait3A] : memref<2560x128xi32, #tpu.memory_space<hbm>> -> memref<80x128xi32, #tpu.memory_space<hbm>>
      %dma_wait3A_40 = arith.constant 0 : i32
      %dma_wait3A_41 = tpu.memref_slice %arg4[%mul3A_2, %dma_wait3A_40] : memref<2560x128xi32, #tpu.memory_space<hbm>> -> memref<80x128xi32, #tpu.memory_space<hbm>>
      tpu.wait_dma2 semaphore(%run_scoped3A : memref<!tpu.dma_semaphore, #tpu.memory_space<semaphore_mem>>) src(%dma_wait3A_41 : memref<80x128xi32, #tpu.memory_space<hbm>>) dst(%arg9 : memref<80x128xi32, #tpu.memory_space<vmem>>)
      tpu.yield
    }) : () -> ()
    %barrier3A = arith.constant 0 : index
    tpu.barrier barrier_id(%barrier3A)
    %scan3A = arith.constant 0 : i32
    %scan3A_23 = arith.constant 0 : i32
    %scan3A_24 = arith.constant 80 : i32
    %scan3A_25 = arith.addi %scan3A_23, %scan3A_24 : i32
    %scan3A_26 = arith.constant 1 : i32
    scf.for %scan3A_36 = %scan3A_23 to %scan3A_25 step %scan3A_26  : i32 {
      %dma_start3A = arith.constant 0 : i32
      %dma_start3A_37 = tpu.memref_slice %arg8[%scan3A_36, %dma_start3A] : memref<80x128xi32, #tpu.memory_space<vmem>> -> memref<1x128xi32, #tpu.memory_space<vmem>>
      %dma_start3A_38 = tpu.memref_squeeze %dma_start3A_37 : memref<1x128xi32, #tpu.memory_space<vmem>> -> memref<128xi32, #tpu.memory_space<vmem>>
      %dma_start3A_39 = arith.constant 0 : i32
      %dma_start3A_40 = arith.constant 0 : i32
      %dma_start3A_41 = tpu.memref_slice %arg2[%dma_start3A_39, %dma_start3A_40] : memref<10240x128xf32, #tpu.memory_space<hbm>> -> memref<10240x128xf32, #tpu.memory_space<hbm>>
      tpu.enqueue_indirect_dma source(%dma_start3A_41 : memref<10240x128xf32, #tpu.memory_space<hbm>>) target(%arg10 : memref<128x128xf32, #tpu.memory_space<vmem>>) offsets(%dma_start3A_38 : memref<128xi32, #tpu.memory_space<vmem>>) semaphore(%arg13 : memref<!tpu.dma_semaphore, #tpu.memory_space<semaphore_mem>>)
      %dma_wait3A = arith.constant 0 : i32
      %dma_wait3A_42 = tpu.memref_slice %arg8[%scan3A_36, %dma_wait3A] : memref<80x128xi32, #tpu.memory_space<vmem>> -> memref<1x128xi32, #tpu.memory_space<vmem>>
      %dma_wait3A_43 = tpu.memref_squeeze %dma_wait3A_42 : memref<1x128xi32, #tpu.memory_space<vmem>> -> memref<128xi32, #tpu.memory_space<vmem>>
      %dma_wait3A_44 = arith.constant 0 : i32
      %dma_wait3A_45 = arith.constant 0 : i32
      %dma_wait3A_46 = tpu.memref_slice %arg2[%dma_wait3A_44, %dma_wait3A_45] : memref<10240x128xf32, #tpu.memory_space<hbm>> -> memref<10240x128xf32, #tpu.memory_space<hbm>>
      tpu.wait_indirect_dma semaphore(%arg13 : memref<!tpu.dma_semaphore, #tpu.memory_space<semaphore_mem>>) src(%dma_wait3A_46 : memref<10240x128xf32, #tpu.memory_space<hbm>>) dst(%arg10 : memref<128x128xf32, #tpu.memory_space<vmem>>)
      "tpu.region"() ({
        %run_scoped3A = tpu.sem_alloc : memref<!tpu.dma_semaphore, #tpu.memory_space<semaphore_mem>>
        %dma_start3A_47 = arith.constant 0 : i32
        %dma_start3A_48 = tpu.memref_slice %arg9[%scan3A_36, %dma_start3A_47] : memref<80x128xi32, #tpu.memory_space<vmem>> -> memref<1x128xi32, #tpu.memory_space<vmem>>
        %dma_start3A_49 = tpu.memref_squeeze %dma_start3A_48 : memref<1x128xi32, #tpu.memory_space<vmem>> -> memref<128xi32, #tpu.memory_space<vmem>>
        %dma_start3A_50 = arith.constant 0 : i32
        %dma_start3A_51 = arith.constant 0 : i32
        %dma_start3A_52 = tpu.memref_slice %arg12[%dma_start3A_50, %dma_start3A_51] : memref<10240x128xf32, #tpu.memory_space<vmem_shared>> -> memref<10240x128xf32, #tpu.memory_space<vmem_shared>>
        tpu.enqueue_indirect_dma source(%arg10 : memref<128x128xf32, #tpu.memory_space<vmem>>) target(%dma_start3A_52 : memref<10240x128xf32, #tpu.memory_space<vmem_shared>>) offsets(%dma_start3A_49 : memref<128xi32, #tpu.memory_space<vmem>>) semaphore(%run_scoped3A : memref<!tpu.dma_semaphore, #tpu.memory_space<semaphore_mem>>) {add = true}
        %dma_wait3A_53 = arith.constant 0 : i32
        %dma_wait3A_54 = tpu.memref_slice %arg9[%scan3A_36, %dma_wait3A_53] : memref<80x128xi32, #tpu.memory_space<vmem>> -> memref<1x128xi32, #tpu.memory_space<vmem>>
        %dma_wait3A_55 = tpu.memref_squeeze %dma_wait3A_54 : memref<1x128xi32, #tpu.memory_space<vmem>> -> memref<128xi32, #tpu.memory_space<vmem>>
        %dma_wait3A_56 = arith.constant 0 : i32
        %dma_wait3A_57 = arith.constant 0 : i32
        %dma_wait3A_58 = tpu.memref_slice %arg12[%dma_wait3A_56, %dma_wait3A_57] : memref<10240x128xf32, #tpu.memory_space<vmem_shared>> -> memref<10240x128xf32, #tpu.memory_space<vmem_shared>>
        tpu.wait_indirect_dma semaphore(%run_scoped3A : memref<!tpu.dma_semaphore, #tpu.memory_space<semaphore_mem>>) src(%arg10 : memref<128x128xf32, #tpu.memory_space<vmem>>) dst(%dma_wait3A_58 : memref<10240x128xf32, #tpu.memory_space<vmem_shared>>)
        tpu.yield
      }) : () -> ()
    }
    %scan3A_27 = arith.constant 80 : i32
    %barrier3A_28 = arith.constant 0 : index
    tpu.barrier barrier_id(%barrier3A_28)
    %mul3A_29 = arith.constant 10240 : i32
    %mul3A_30 = arith.muli %arg0, %mul3A_29 : i32
    %mul3A_31 = arith.constant 640 : i32
    %mul3A_32 = arith.muli %arg1, %mul3A_31 : i32
    %add3A_33 = arith.addi %mul3A_30, %mul3A_32 : i32
    %mul3A_34 = arith.constant 640 : i32
    %mul3A_35 = arith.muli %arg1, %mul3A_34 : i32
    "tpu.region"() ({
      %run_scoped3A = tpu.sem_alloc : memref<!tpu.dma_semaphore, #tpu.memory_space<semaphore_mem>>
      %dma_start3A = arith.constant 0 : i32
      %dma_start3A_36 = tpu.memref_slice %arg7[%add3A_33, %dma_start3A] : memref<20480x128xf32, #tpu.memory_space<hbm>> -> memref<640x128xf32, #tpu.memory_space<hbm>>
      %dma_start3A_37 = arith.constant 0 : i32
      %dma_start3A_38 = tpu.memref_slice %arg12[%mul3A_35, %dma_start3A_37] : memref<10240x128xf32, #tpu.memory_space<vmem_shared>> -> memref<640x128xf32, #tpu.memory_space<vmem_shared>>
      tpu.enqueue_dma source(%dma_start3A_38 : memref<640x128xf32, #tpu.memory_space<vmem_shared>>) target(%dma_start3A_36 : memref<640x128xf32, #tpu.memory_space<hbm>>) target_semaphore(%run_scoped3A : memref<!tpu.dma_semaphore, #tpu.memory_space<semaphore_mem>>)
      %dma_wait3A = arith.constant 0 : i32
      %dma_wait3A_39 = tpu.memref_slice %arg7[%add3A_33, %dma_wait3A] : memref<20480x128xf32, #tpu.memory_space<hbm>> -> memref<640x128xf32, #tpu.memory_space<hbm>>
      %dma_wait3A_40 = arith.constant 0 : i32
      %dma_wait3A_41 = tpu.memref_slice %arg12[%mul3A_35, %dma_wait3A_40] : memref<10240x128xf32, #tpu.memory_space<vmem_shared>> -> memref<640x128xf32, #tpu.memory_space<vmem_shared>>
      tpu.wait_dma2 semaphore(%run_scoped3A : memref<!tpu.dma_semaphore, #tpu.memory_space<semaphore_mem>>) src(%dma_wait3A_41 : memref<640x128xf32, #tpu.memory_space<vmem_shared>>) dst(%dma_wait3A_39 : memref<640x128xf32, #tpu.memory_space<hbm>>)
      tpu.yield
    }) : () -> ()
    return
  }
}

module attributes {stable_mosaic.version = 14 : i64} {
  func.func @_gidx_body(%arg0: memref<2560x128xi32, #tpu.memory_space<vmem>>, %arg1: memref<2560x128xi32, #tpu.memory_space<vmem>>, %arg2: memref<2560x128xi32, #tpu.memory_space<vmem>>) attributes {dimension_semantics = [], scalar_prefetch = 0 : i64, scratch_operands = 0 : i64, tpu.core_type = #tpu.core_type<tc>} {
    %get3A = arith.constant 0 : index
    %get3A_0 = arith.constant 0 : index
    %get3A_1 = vector.load %arg0[%get3A, %get3A_0] : memref<2560x128xi32, #tpu.memory_space<vmem>>, vector<2560x128xi32>
    %mul3A = arith.constant 10240 : i32
    %mul3A_2 = vector.broadcast %mul3A : i32 to vector<2560x128xi32>
    %mul3A_3 = arith.muli %get3A_1, %mul3A_2 : vector<2560x128xi32>
    %get3A_4 = arith.constant 0 : index
    %get3A_5 = arith.constant 0 : index
    %get3A_6 = vector.load %arg1[%get3A_4, %get3A_5] : memref<2560x128xi32, #tpu.memory_space<vmem>>, vector<2560x128xi32>
    %add3A = arith.addi %mul3A_3, %get3A_6 : vector<2560x128xi32>
    %swap3A = arith.constant 0 : index
    %swap3A_7 = arith.constant 0 : index
    %swap3A_8 = vector.load %arg2[%swap3A, %swap3A_7] : memref<2560x128xi32, #tpu.memory_space<vmem>>, vector<2560x128xi32>
    tpu.vector_store %arg2[%swap3A, %swap3A_7], %add3A {strides = array<i32>} : memref<2560x128xi32, #tpu.memory_space<vmem>>, vector<2560x128xi32>,
    return
  }
}

module attributes {stable_mosaic.version = 14 : i64} {
  func.func @_transform_body(%arg0: i32, %arg1: i32, %arg2: memref<1024x128xf32, #tpu.memory_space<vmem>>, %arg3: memref<1x128x128xf32, #tpu.memory_space<vmem>>, %arg4: memref<1x1024x128xf32, #tpu.memory_space<vmem>>) attributes {dimension_semantics = [#tpu.dimension_semantics<arbitrary>, #tpu.dimension_semantics<arbitrary>], iteration_bounds = array<i64: 5, 10>, scalar_prefetch = 0 : i64, scratch_operands = 0 : i64, tpu.core_type = #tpu.core_type<tc>, window_params = [{transform_indices = @transform_0, window_bounds = array<i64: 1024, 128>}, {transform_indices = @transform_1, window_bounds = array<i64: 1, 128, 128>}, {transform_indices = @transform_2, window_bounds = array<i64: 1, 1024, 128>}]} {
    %get3A = arith.constant 0 : index
    %get3A_0 = arith.constant 0 : index
    %get3A_1 = vector.load %arg2[%get3A, %get3A_0] : memref<1024x128xf32, #tpu.memory_space<vmem>>, vector<1024x128xf32>
    %get3A_2 = arith.constant 0 : index
    %get3A_3 = arith.constant 0 : index
    %get3A_4 = arith.constant 0 : index
    %get3A_5 = vector.load %arg3[%get3A_2, %get3A_3, %get3A_4] : memref<1x128x128xf32, #tpu.memory_space<vmem>>, vector<1x128x128xf32>
    %get3A_6 = vector.shape_cast %get3A_5 : vector<1x128x128xf32> to vector<128x128xf32>
    %dot_general3A = arith.constant dense<0.000000e+00> : vector<1024x128xf32>
    %dot_general3A_7 = tpu.matmul %get3A_1, %get3A_6, %dot_general3A {dimension_numbers = #tpu.dot_dimension_numbers<[1], [0], [0], [1], [0, 0, 1, 1], [], []>, transpose_lhs_hint = false} : vector<1024x128xf32>, vector<128x128xf32>, vector<1024x128xf32> -> vector<1024x128xf32>
    %swap3A = arith.constant 0 : index
    %swap3A_8 = arith.constant 0 : index
    %swap3A_9 = arith.constant 0 : index
    %swap3A_10 = vector.load %arg4[%swap3A, %swap3A_8, %swap3A_9] : memref<1x1024x128xf32, #tpu.memory_space<vmem>>, vector<1x1024x128xf32>
    %swap3A_11 = vector.shape_cast %swap3A_10 : vector<1x1024x128xf32> to vector<1024x128xf32>
    %swap3A_12 = vector.shape_cast %dot_general3A_7 : vector<1024x128xf32> to vector<1x1024x128xf32>
    tpu.vector_store %arg4[%swap3A, %swap3A_8, %swap3A_9], %swap3A_12 {strides = array<i32>} : memref<1x1024x128xf32, #tpu.memory_space<vmem>>, vector<1x1024x128xf32>,
    return
  }
  func.func @transform_0(%arg0: i32, %arg1: i32) -> (i32, i32) {
    %c0_i32 = arith.constant 0 : i32
    %c0_i32_0 = arith.constant 0 : i32
    return %arg1, %c0_i32 : i32, i32
  }
  func.func @transform_1(%arg0: i32, %arg1: i32) -> (i32, i32, i32) {
    %c0_i32 = arith.constant 0 : i32
    %c0_i32_0 = arith.constant 0 : i32
    %c0_i32_1 = arith.constant 0 : i32
    return %arg0, %c0_i32, %c0_i32_0 : i32, i32, i32
  }
  func.func @transform_2(%arg0: i32, %arg1: i32) -> (i32, i32, i32) {
    %c0_i32 = arith.constant 0 : i32
    %c0_i32_0 = arith.constant 0 : i32
    return %arg0, %arg1, %c0_i32 : i32, i32, i32
  }
}

module attributes {stable_mosaic.version = 14 : i64} {
  func.func @_invdeg_body(%arg0: memref<2x10240xf32, #tpu.memory_space<vmem>>, %arg1: memref<1x10240xf32, #tpu.memory_space<vmem>>) attributes {dimension_semantics = [], scalar_prefetch = 0 : i64, scratch_operands = 0 : i64, tpu.core_type = #tpu.core_type<tc>} {
    %get3A = arith.constant 0 : index
    %get3A_0 = arith.constant 0 : index
    %get3A_1 = vector.load %arg0[%get3A, %get3A_0] : memref<2x10240xf32, #tpu.memory_space<vmem>>, vector<1x10240xf32>
    %get3A_2 = vector.shape_cast %get3A_1 : vector<1x10240xf32> to vector<10240xf32>
    %get3A_3 = arith.constant 1 : index
    %get3A_4 = arith.constant 0 : index
    %get3A_5 = vector.load %arg0[%get3A_3, %get3A_4] : memref<2x10240xf32, #tpu.memory_space<vmem>>, vector<1x10240xf32>
    %get3A_6 = vector.shape_cast %get3A_5 : vector<1x10240xf32> to vector<10240xf32>
    %add3A = arith.addf %get3A_2, %get3A_6 : vector<10240xf32>
    %max3A = arith.constant 1.000000e+00 : f32
    %max3A_7 = vector.broadcast %max3A : f32 to vector<10240xf32>
    %max3A_8 = arith.maximumf %add3A, %max3A_7 : vector<10240xf32>
    %div3A = arith.constant 1.000000e+00 : f32
    %div3A_9 = vector.broadcast %div3A : f32 to vector<10240xf32>
    %div3A_10 = arith.divf %div3A_9, %max3A_8 : vector<10240xf32>
    %swap3A = arith.constant 0 : index
    %swap3A_11 = arith.constant 0 : index
    %swap3A_12 = vector.load %arg1[%swap3A, %swap3A_11] : memref<1x10240xf32, #tpu.memory_space<vmem>>, vector<1x10240xf32>
    %swap3A_13 = vector.shape_cast %swap3A_12 : vector<1x10240xf32> to vector<10240xf32>
    %swap3A_14 = vector.shape_cast %div3A_10 : vector<10240xf32> to vector<1x10240xf32>
    tpu.vector_store %arg1[%swap3A, %swap3A_11], %swap3A_14 {strides = array<i32>} : memref<1x10240xf32, #tpu.memory_space<vmem>>, vector<1x10240xf32>,
    return
  }
}

module attributes {stable_mosaic.version = 14 : i64} {
  func.func @_postr_body(%arg0: i32, %arg1: memref<1x1024x128xf32, #tpu.memory_space<vmem>>, %arg2: memref<1024x128xf32, #tpu.memory_space<vmem>>, %arg3: memref<1024x128xf32, #tpu.memory_space<vmem>>, %arg4: memref<1024x1xf32, #tpu.memory_space<vmem>>, %arg5: memref<1024x128xf32, #tpu.memory_space<vmem>>) attributes {dimension_semantics = [#tpu.dimension_semantics<arbitrary>], iteration_bounds = array<i64: 10>, scalar_prefetch = 0 : i64, scratch_operands = 0 : i64, tpu.core_type = #tpu.core_type<tc>, window_params = [{transform_indices = @transform_0, window_bounds = array<i64: 1, 1024, 128>}, {transform_indices = @transform_1, window_bounds = array<i64: 1024, 128>}, {transform_indices = @transform_2, window_bounds = array<i64: 1024, 128>}, {transform_indices = @transform_3, window_bounds = array<i64: 1024, 1>}, {transform_indices = @transform_4, window_bounds = array<i64: 1024, 128>}]} {
    %get3A = arith.constant 0 : index
    %get3A_0 = arith.constant 0 : index
    %get3A_1 = arith.constant 0 : index
    %get3A_2 = vector.load %arg1[%get3A, %get3A_0, %get3A_1] : memref<1x1024x128xf32, #tpu.memory_space<vmem>>, vector<1x1024x128xf32>
    %get3A_3 = vector.shape_cast %get3A_2 : vector<1x1024x128xf32> to vector<1024x128xf32>
    %get3A_4 = arith.constant 0 : index
    %get3A_5 = arith.constant 0 : index
    %get3A_6 = vector.load %arg2[%get3A_4, %get3A_5] : memref<1024x128xf32, #tpu.memory_space<vmem>>, vector<1024x128xf32>
    %add3A = arith.addf %get3A_3, %get3A_6 : vector<1024x128xf32>
    %get3A_7 = arith.constant 0 : index
    %get3A_8 = arith.constant 0 : index
    %get3A_9 = vector.load %arg3[%get3A_7, %get3A_8] : memref<1024x128xf32, #tpu.memory_space<vmem>>, vector<1024x128xf32>
    %add3A_10 = arith.addf %add3A, %get3A_9 : vector<1024x128xf32>
    %get3A_11 = arith.constant 0 : index
    %get3A_12 = arith.constant 0 : index
    %get3A_13 = vector.load %arg4[%get3A_11, %get3A_12] : memref<1024x1xf32, #tpu.memory_space<vmem>>, vector<1024x1xf32>
    %mul3A = vector.broadcast %get3A_13 : vector<1024x1xf32> to vector<1024x128xf32>
    %mul3A_14 = arith.mulf %add3A_10, %mul3A : vector<1024x128xf32>
    %max3A = arith.constant 0.000000e+00 : f32
    %max3A_15 = vector.broadcast %max3A : f32 to vector<1024x128xf32>
    %max3A_16 = arith.maximumf %mul3A_14, %max3A_15 : vector<1024x128xf32>
    %swap3A = arith.constant 0 : index
    %swap3A_17 = arith.constant 0 : index
    %swap3A_18 = vector.load %arg5[%swap3A, %swap3A_17] : memref<1024x128xf32, #tpu.memory_space<vmem>>, vector<1024x128xf32>
    tpu.vector_store %arg5[%swap3A, %swap3A_17], %max3A_16 {strides = array<i32>} : memref<1024x128xf32, #tpu.memory_space<vmem>>, vector<1024x128xf32>,
    return
  }
  func.func @transform_0(%arg0: i32) -> (i32, i32, i32) {
    %c4_i32 = arith.constant 4 : i32
    %c0_i32 = arith.constant 0 : i32
    %c0_i32_0 = arith.constant 0 : i32
    return %c4_i32, %arg0, %c0_i32 : i32, i32, i32
  }
  func.func @transform_1(%arg0: i32) -> (i32, i32) {
    %c0_i32 = arith.constant 0 : i32
    %c0_i32_0 = arith.constant 0 : i32
    return %arg0, %c0_i32 : i32, i32
  }
  func.func @transform_2(%arg0: i32) -> (i32, i32) {
    %add3A = arith.constant 10 : i32
    %add3A_0 = arith.addi %arg0, %add3A : i32
    %c0_i32 = arith.constant 0 : i32
    %c0_i32_1 = arith.constant 0 : i32
    return %add3A_0, %c0_i32 : i32, i32
  }
  func.func @transform_3(%arg0: i32) -> (i32, i32) {
    %c0_i32 = arith.constant 0 : i32
    %c0_i32_0 = arith.constant 0 : i32
    return %arg0, %c0_i32 : i32, i32
  }
  func.func @transform_4(%arg0: i32) -> (i32, i32) {
    %c0_i32 = arith.constant 0 : i32
    %c0_i32_0 = arith.constant 0 : i32
    return %arg0, %c0_i32 : i32, i32
  }
}

module attributes {stable_mosaic.version = 14 : i64} {
  func.func @_postge_body(%arg0: i32, %arg1: memref<1024x128xf32, #tpu.memory_space<vmem>>, %arg2: memref<1024x128xf32, #tpu.memory_space<vmem>>, %arg3: memref<1024x128xf32, #tpu.memory_space<vmem>>, %arg4: memref<1024x1xf32, #tpu.memory_space<vmem>>, %arg5: memref<128x128xf32, #tpu.memory_space<vmem>>, %arg6: memref<1x128xf32, #tpu.memory_space<vmem>>, %arg7: memref<1x1xf32, #tpu.memory_space<vmem>>, %arg8: memref<1024x128xf32, #tpu.memory_space<vmem>>) attributes {dimension_semantics = [#tpu.dimension_semantics<arbitrary>], iteration_bounds = array<i64: 10>, scalar_prefetch = 0 : i64, scratch_operands = 0 : i64, tpu.core_type = #tpu.core_type<tc>, window_params = [{transform_indices = @transform_0, window_bounds = array<i64: 1024, 128>}, {transform_indices = @transform_1, window_bounds = array<i64: 1024, 128>}, {transform_indices = @transform_2, window_bounds = array<i64: 1024, 128>}, {transform_indices = @transform_3, window_bounds = array<i64: 1024, 1>}, {pipeline_mode = #tpu.pipeline_mode<synchronous>, transform_indices = @transform_4, window_bounds = array<i64: 128, 128>}, {pipeline_mode = #tpu.pipeline_mode<synchronous>, transform_indices = @transform_5, window_bounds = array<i64: 1, 128>}, {pipeline_mode = #tpu.pipeline_mode<synchronous>, transform_indices = @transform_6, window_bounds = array<i64: 1, 1>}, {transform_indices = @transform_7, window_bounds = array<i64: 1024, 128>}]} {
    %get3A = arith.constant 0 : index
    %get3A_0 = arith.constant 0 : index
    %get3A_1 = vector.load %arg2[%get3A, %get3A_0] : memref<1024x128xf32, #tpu.memory_space<vmem>>, vector<1024x128xf32>
    %get3A_2 = arith.constant 0 : index
    %get3A_3 = arith.constant 0 : index
    %get3A_4 = vector.load %arg3[%get3A_2, %get3A_3] : memref<1024x128xf32, #tpu.memory_space<vmem>>, vector<1024x128xf32>
    %add3A = arith.addf %get3A_1, %get3A_4 : vector<1024x128xf32>
    %get3A_5 = arith.constant 0 : index
    %get3A_6 = arith.constant 0 : index
    %get3A_7 = vector.load %arg4[%get3A_5, %get3A_6] : memref<1024x1xf32, #tpu.memory_space<vmem>>, vector<1024x1xf32>
    %mul3A = vector.broadcast %get3A_7 : vector<1024x1xf32> to vector<1024x128xf32>
    %mul3A_8 = arith.mulf %add3A, %mul3A : vector<1024x128xf32>
    %get3A_9 = arith.constant 0 : index
    %get3A_10 = arith.constant 0 : index
    %get3A_11 = vector.load %arg5[%get3A_9, %get3A_10] : memref<128x128xf32, #tpu.memory_space<vmem>>, vector<128x128xf32>
    %dot_general3A = arith.constant dense<0.000000e+00> : vector<1024x128xf32>
    %dot_general3A_12 = tpu.matmul %mul3A_8, %get3A_11, %dot_general3A {dimension_numbers = #tpu.dot_dimension_numbers<[1], [1], [0], [0], [0, 0, 1, 0], [], []>, transpose_lhs_hint = false} : vector<1024x128xf32>, vector<128x128xf32>, vector<1024x128xf32> -> vector<1024x128xf32>
    %get3A_13 = arith.constant 0 : index
    %get3A_14 = arith.constant 0 : index
    %get3A_15 = vector.load %arg1[%get3A_13, %get3A_14] : memref<1024x128xf32, #tpu.memory_space<vmem>>, vector<1024x128xf32>
    %get3A_16 = arith.constant 0 : index
    %get3A_17 = arith.constant 0 : index
    %get3A_18 = vector.load %arg7[%get3A_16, %get3A_17] : memref<1x1xf32, #tpu.memory_space<vmem>>, vector<1x1xf32>
    %get3A_19 = arith.constant 0 : index
    %get3A_20 = arith.constant 0 : index
    %get3A_21 = vector.load %arg6[%get3A_19, %get3A_20] : memref<1x128xf32, #tpu.memory_space<vmem>>, vector<1x128xf32>
    %add3A_22 = vector.broadcast %get3A_21 : vector<1x128xf32> to vector<1024x128xf32>
    %add3A_23 = arith.addf %dot_general3A_12, %add3A_22 : vector<1024x128xf32>
    %mul3A_24 = vector.broadcast %get3A_18 : vector<1x1xf32> to vector<1024x128xf32>
    %mul3A_25 = arith.mulf %mul3A_24, %add3A_23 : vector<1024x128xf32>
    %add3A_26 = arith.addf %get3A_15, %mul3A_25 : vector<1024x128xf32>
    %swap3A = arith.constant 0 : index
    %swap3A_27 = arith.constant 0 : index
    %swap3A_28 = vector.load %arg8[%swap3A, %swap3A_27] : memref<1024x128xf32, #tpu.memory_space<vmem>>, vector<1024x128xf32>
    tpu.vector_store %arg8[%swap3A, %swap3A_27], %add3A_26 {strides = array<i32>} : memref<1024x128xf32, #tpu.memory_space<vmem>>, vector<1024x128xf32>,
    return
  }
  func.func @transform_0(%arg0: i32) -> (i32, i32) {
    %c0_i32 = arith.constant 0 : i32
    %c0_i32_0 = arith.constant 0 : i32
    return %arg0, %c0_i32 : i32, i32
  }
  func.func @transform_1(%arg0: i32) -> (i32, i32) {
    %c0_i32 = arith.constant 0 : i32
    %c0_i32_0 = arith.constant 0 : i32
    return %arg0, %c0_i32 : i32, i32
  }
  func.func @transform_2(%arg0: i32) -> (i32, i32) {
    %add3A = arith.constant 10 : i32
    %add3A_0 = arith.addi %arg0, %add3A : i32
    %c0_i32 = arith.constant 0 : i32
    %c0_i32_1 = arith.constant 0 : i32
    return %add3A_0, %c0_i32 : i32, i32
  }
  func.func @transform_3(%arg0: i32) -> (i32, i32) {
    %c0_i32 = arith.constant 0 : i32
    %c0_i32_0 = arith.constant 0 : i32
    return %arg0, %c0_i32 : i32, i32
  }
  func.func @transform_4(%arg0: i32) -> (i32, i32) {
    %c0_i32 = arith.constant 0 : i32
    %c0_i32_0 = arith.constant 0 : i32
    %c0_i32_1 = arith.constant 0 : i32
    return %c0_i32, %c0_i32_0 : i32, i32
  }
  func.func @transform_5(%arg0: i32) -> (i32, i32) {
    %c0_i32 = arith.constant 0 : i32
    %c0_i32_0 = arith.constant 0 : i32
    %c0_i32_1 = arith.constant 0 : i32
    return %c0_i32, %c0_i32_0 : i32, i32
  }
  func.func @transform_6(%arg0: i32) -> (i32, i32) {
    %c0_i32 = arith.constant 0 : i32
    %c0_i32_0 = arith.constant 0 : i32
    %c0_i32_1 = arith.constant 0 : i32
    return %c0_i32, %c0_i32_0 : i32, i32
  }
  func.func @transform_7(%arg0: i32) -> (i32, i32) {
    %c0_i32 = arith.constant 0 : i32
    %c0_i32_0 = arith.constant 0 : i32
    return %arg0, %c0_i32 : i32, i32
  }
}

module attributes {stable_mosaic.version = 14 : i64} {
  func.func @_final_body(%arg0: i32, %arg1: memref<1024x128xf32, #tpu.memory_space<vmem>>, %arg2: memref<128x128xf32, #tpu.memory_space<vmem>>, %arg3: memref<1x128xf32, #tpu.memory_space<vmem>>, %arg4: memref<1024x128xf32, #tpu.memory_space<vmem>>) attributes {dimension_semantics = [#tpu.dimension_semantics<arbitrary>], iteration_bounds = array<i64: 10>, scalar_prefetch = 0 : i64, scratch_operands = 0 : i64, tpu.core_type = #tpu.core_type<tc>, window_params = [{transform_indices = @transform_0, window_bounds = array<i64: 1024, 128>}, {pipeline_mode = #tpu.pipeline_mode<synchronous>, transform_indices = @transform_1, window_bounds = array<i64: 128, 128>}, {pipeline_mode = #tpu.pipeline_mode<synchronous>, transform_indices = @transform_2, window_bounds = array<i64: 1, 128>}, {transform_indices = @transform_3, window_bounds = array<i64: 1024, 128>}]} {
    %get3A = arith.constant 0 : index
    %get3A_0 = arith.constant 0 : index
    %get3A_1 = vector.load %arg1[%get3A, %get3A_0] : memref<1024x128xf32, #tpu.memory_space<vmem>>, vector<1024x128xf32>
    %get3A_2 = arith.constant 0 : index
    %get3A_3 = arith.constant 0 : index
    %get3A_4 = vector.load %arg2[%get3A_2, %get3A_3] : memref<128x128xf32, #tpu.memory_space<vmem>>, vector<128x128xf32>
    %dot_general3A = arith.constant dense<0.000000e+00> : vector<1024x128xf32>
    %dot_general3A_5 = tpu.matmul %get3A_1, %get3A_4, %dot_general3A {dimension_numbers = #tpu.dot_dimension_numbers<[1], [1], [0], [0], [0, 0, 1, 0], [], []>, transpose_lhs_hint = false} : vector<1024x128xf32>, vector<128x128xf32>, vector<1024x128xf32> -> vector<1024x128xf32>
    %get3A_6 = arith.constant 0 : index
    %get3A_7 = arith.constant 0 : index
    %get3A_8 = vector.load %arg3[%get3A_6, %get3A_7] : memref<1x128xf32, #tpu.memory_space<vmem>>, vector<1x128xf32>
    %add3A = vector.broadcast %get3A_8 : vector<1x128xf32> to vector<1024x128xf32>
    %add3A_9 = arith.addf %dot_general3A_5, %add3A : vector<1024x128xf32>
    %swap3A = arith.constant 0 : index
    %swap3A_10 = arith.constant 0 : index
    %swap3A_11 = vector.load %arg4[%swap3A, %swap3A_10] : memref<1024x128xf32, #tpu.memory_space<vmem>>, vector<1024x128xf32>
    tpu.vector_store %arg4[%swap3A, %swap3A_10], %add3A_9 {strides = array<i32>} : memref<1024x128xf32, #tpu.memory_space<vmem>>, vector<1024x128xf32>,
    return
  }
  func.func @transform_0(%arg0: i32) -> (i32, i32) {
    %c0_i32 = arith.constant 0 : i32
    %c0_i32_0 = arith.constant 0 : i32
    return %arg0, %c0_i32 : i32, i32
  }
  func.func @transform_1(%arg0: i32) -> (i32, i32) {
    %c0_i32 = arith.constant 0 : i32
    %c0_i32_0 = arith.constant 0 : i32
    %c0_i32_1 = arith.constant 0 : i32
    return %c0_i32, %c0_i32_0 : i32, i32
  }
  func.func @transform_2(%arg0: i32) -> (i32, i32) {
    %c0_i32 = arith.constant 0 : i32
    %c0_i32_0 = arith.constant 0 : i32
    %c0_i32_1 = arith.constant 0 : i32
    return %c0_i32, %c0_i32_0 : i32, i32
  }
  func.func @transform_3(%arg0: i32) -> (i32, i32) {
    %c0_i32 = arith.constant 0 : i32
    %c0_i32_0 = arith.constant 0 : i32
    return %arg0, %c0_i32 : i32, i32
  }
}

</mosaic_0001>

<sc_bundles>
// kernel: kernel.15.cloned.1.call-start
scs
__scs_entry_jumppad:
0x0: {  	(pc) =	sbr.rel $0x88, $3  }
0x1: {  	(tag) =	ssettag $0x0;
	lr =	simm.s32 $0x1  }
0x2: {  	[smem:$0x3F92] =	sst lr;
	_ =	strace $0xD0000000  }
0x3: {  	_ = 	snop  }
0x4: {  	_ = 	snop  }
0x5: {  	_ = 	snop  }
0x6: {  	_ = 	snop  }
0x7: {  	_ = 	snop  }
__scs_overlays_trampoline_lowered:
0x8: {  	[smem:$0x3FA1] =	sst s0  }
0x9: {  	[smem:$0x3FA2] =	sst s1  }
0xa: {  	[smem:$0x3FA3] =	sst s2  }
0xb: {  	[smem:$0x3FA4] =	sst s3  }
0xc: {  	[smem:$0x3FA5] =	sst s4  }
0xd: {  	[smem:$0x3FA6] =	sst s5  }
0xe: {  	[smem:$0x3FA7] =	sst s6  }
0xf: {  	[smem:$0x3FA8] =	sst s7  }
0x10: {  	[smem:$0x3FA9] =	sst s8  }
0x11: {  	[smem:$0x3FAA] =	sst s9;
	s0 =	simm.s32 @!p0 $0x0  }
0x12: {  	s1 =	sld [smem:$0x3F90];
	s0 =	simm.s32 @p0 $0x1  }
0x13: {  	[smem:$0x3FAB] =	sst s0;
	s0 =	simm.s32 @!p1 $0x0  }
0x14: {  	s2 =	sld [smem:$0x3F8F];
	s0 =	simm.s32 @p1 $0x1  }
0x15: {  	[smem:$0x3FAC] =	sst s0;
	s0 =	simm.s32 @!p2 $0x0  }
0x16: {  	s3 =	sld [smem:$0x3FDB];
	s0 =	simm.s32 @p2 $0x1  }
0x17: {  	s4 =	simm.s32 $0x1BF5;
	[smem:$0x3FAE] =	sst s0  }
0x18: {  	s0 =	sld [smem:$0x3F91];
	_ =	swait.ge [sflag:s4], $0x0  }
0x19: {  	s7 =	sld [smem:$0x3F92]  }
0x1a: {  	s8 =	sadd.s32 $0xFFFFE003, lr  }
0x1b: {  	s9 =	sadd.s32 $0xFFFFFEF7, lr;
	s5 =	simm.s32 $0xFFFFFFFF;
	p2 =	slt.u32 s8, $0xFFFFF086  }
0x1c: {  	p1 =	slt.u32 s9, $0xF7A;
	s5 =	simm.s32 @!p2 $0x0  }
0x1d: {  	s5 =	simm.s32 @p1 $0x1;
	p0 =	seq.s32 s7, s2  }
0x1e: {  	s7 =	smul.u32 @!p0 $0xF7A, s2;
	p2 =	seq.s32 @!p0 s5, $0x0  }
0x1f: {  	s9 =	smul.u32 $0xF7A, s1;
	s8 =	simm.s32 @!p0 $0x1BF5;
	p2 =	por !p2, p0  }
0x20: {  	[sflag:s8] =	ssyncset.s32 @!p0 $0xFFFFF086;
	s6 =	sadd.s32 @!p0 s3, s7;
	s7 =	simm.s32 @!p0 $0x108  }
0x21: {  	s3 =	sadd.s32 s3, s9;
	s6 =	sadd.s32 @!p0 $0x88, s6;
	s7 =	simm.s32 @p2 $0x1082  }
0x22: {  	[simem:s7], [sflag:s8] =	dma.local @!p0 [hbm:s6], $0xF7A  }
0x23: {  	s9 =	sor.u32 $0xD0000000, s2;
	s6 =	simm.s32 $0x108;
	_ =	swait.ge @!p0 [sflag:s8], $0x0  }
0x24: {  	s3 =	sadd.s32 $0x88, s3;
	s6 =	simm.s32 @!p1 $0x1082;
	[sflag:s4] =	ssyncset.s32 $0xFFFFF086  }
0x25: {  	[simem:s6], [sflag:s4] =	dma.local [hbm:s3], $0xF7A  }
0x26: {  	[smem:$0x3F92] =	sst s1;
	(tag) =	ssettag s2;
	_ =	strace s9  }
0x27: {  	s1 =	sld [smem:$0x3FA2]  }
0x28: {  	s2 =	sld [smem:$0x3FA3]  }
0x29: {  	s4 =	sld [smem:$0x3FA5]  }
0x2a: {  	p0 =	seq.s32 s5, $0x0;
	s5 =	sld [smem:$0x3FA6]  }
0x2b: {  	s6 =	sld [smem:$0x3FA7]  }
0x2c: {  	s7 =	sld [smem:$0x3FA8]  }
0x2d: {  	s3 =	simm.s32 $0x108;
	s8 =	sld [smem:$0x3FA9]  }
0x2e: {  	s3 =	simm.s32 @!p0 $0x1082;
	s9 =	sld [smem:$0x3FAA]  }
0x2f: {  	lr =	sadd.s32 s0, s3;
	s0 =	sld [smem:$0x3FA1]  }
0x30: {  	s3 =	sld [smem:$0x3FA4]  }
0x31: {  	[smem:$0x3FAD] =	sst s10  }
0x32: {  	s10 =	sld [smem:$0x3FAB];
	_ =	sdelay $0x3  }
0x33: {  	p0 =	seq.s32 s10, $0x1;
	s10 =	sld [smem:$0x3FAD];
	_ =	sdelay $0x3  }
0x34: {  	[smem:$0x3FAD] =	sst s10  }
0x35: {  	s10 =	sld [smem:$0x3FAC];
	_ =	sdelay $0x3  }
0x36: {  	p1 =	seq.s32 s10, $0x1;
	s10 =	sld [smem:$0x3FAD];
	_ =	sdelay $0x3  }
0x37: {  	[smem:$0x3FAD] =	sst s10  }
0x38: {  	s10 =	sld [smem:$0x3FAE]  }
0x39: {  	_ = 	snop;
	(pc) =	sbr.ind lr, $3  }
0x3a: {  	_ = 	snop  }
0x3b: {  	_ = 	snop  }
0x3c: {  	p2 =	seq.s32 s10, $0x1;
	s10 =	sld [smem:$0x3FAD]  }
0x3d: {  	_ =	shalt  }
0x3e: {  	_ =	shalt  }
0x3f: {  	_ =	shalt  }
0x40: {  	_ =	shalt  }
0x41: {  	_ =	shalt  }
0x42: {  	_ =	shalt  }
0x43: {  	_ =	shalt  }
0x44: {  	_ =	shalt  }
0x45: {  	_ =	shalt  }
0x46: {  	_ =	shalt  }
0x47: {  	_ =	shalt  }
0x48: {  	_ =	shalt  }
0x49: {  	_ =	shalt  }
0x4a: {  	_ =	shalt  }
0x4b: {  	_ =	shalt  }
0x4c: {  	_ =	shalt  }
0x4d: {  	_ =	shalt  }
0x4e: {  	_ =	shalt  }
0x4f: {  	_ =	shalt  }
0x50: {  	_ =	shalt  }
0x51: {  	_ =	shalt  }
0x52: {  	_ =	shalt  }
0x53: {  	_ =	shalt  }
0x54: {  	_ =	shalt  }
0x55: {  	_ =	shalt  }
0x56: {  	_ =	shalt  }
0x57: {  	_ =	shalt  }
0x58: {  	_ =	shalt  }
0x59: {  	_ =	shalt  }
0x5a: {  	_ =	shalt  }
0x5b: {  	_ =	shalt  }
0x5c: {  	_ =	shalt  }
0x5d: {  	_ =	shalt  }
0x5e: {  	_ =	shalt  }
0x5f: {  	_ =	shalt  }
0x60: {  	_ =	shalt  }
0x61: {  	_ =	shalt  }
0x62: {  	_ =	shalt  }
0x63: {  	_ =	shalt  }
0x64: {  	_ =	shalt  }
0x65: {  	_ =	shalt  }
0x66: {  	_ =	shalt  }
0x67: {  	_ =	shalt  }
0x68: {  	_ =	shalt  }
0x69: {  	_ =	shalt  }
0x6a: {  	_ =	shalt  }
0x6b: {  	_ =	shalt  }
0x6c: {  	_ =	shalt  }
0x6d: {  	_ =	shalt  }
0x6e: {  	_ =	shalt  }
0x6f: {  	_ =	shalt  }
0x70: {  	_ =	shalt  }
0x71: {  	_ =	shalt  }
0x72: {  	_ =	shalt  }
0x73: {  	_ =	shalt  }
0x74: {  	_ =	shalt  }
0x75: {  	_ =	shalt  }
0x76: {  	_ =	shalt  }
0x77: {  	_ =	shalt  }
0x78: {  	_ =	shalt  }
0x79: {  	_ =	shalt  }
0x7a: {  	_ =	shalt  }
0x7b: {  	_ =	shalt  }
0x7c: {  	_ =	shalt  }
0x7d: {  	_ =	shalt  }
0x7e: {  	_ =	shalt  }
0x7f: {  	_ =	shalt  }
0x80: {  	_ =	shalt  }
0x81: {  	_ =	shalt  }
0x82: {  	_ =	shalt  }
0x83: {  	_ =	shalt  }
0x84: {  	_ =	shalt  }
0x85: {  	_ =	shalt  }
0x86: {  	_ =	shalt  }
0x87: {  	_ =	shalt  }
.Lfunc_end0:
.L_simem_size_0:
called_computation_lowered:
.L_overlay_start_0:
0x88: {  	s2 =	sld [smem:$0x3FD9]  }
0x89: {  	s3 =	sld [smem:$0x3FFE];
	_ =	sdelay $0x1  }
0x8a: {  	s1 =	srdreg.scid  }
0x8b: {  	s0 =	sand.u32 $0x1, s1  }
0x8c: {  	s17 =	sshll.u32 s0, $0xA;
	s2 =	sadd.s32 s3, s2  }
0x8d: {  	s2 =	sadd.s32 s2, s17  }
0x8e: {  	[smem:$0x3FB9] =	sst s2  }
0x8f: {  	_ = 	snop  }
0x90: {  	s2 =	sld [smem:$0x3FD0];
	(tm) =	ssettm $0x1  }
0x91: {  	s18 =	sld [smem:$0x3FFB];
	_ =	sdelay $0x3  }
0x92: {  	_ =	strace s18  }
0x93: {  	s3 =	sld [smem:$0x3FFC];
	_ =	sdelay $0x3  }
0x94: {  	_ =	strace s3  }
0x95: {  	s3 =	sld [smem:$0x3FFD];
	_ =	sdelay $0x3  }
0x96: {  	_ =	strace s3  }
0x97: {  	_ =	strace $0x8FFFFFFF  }
0x98: {  	s19 =	sld [smem:$0x3FDB];
	_ =	sdelay $0x1  }
0x99: {  	s4 =	simm.s32 $_scs_section_size  }
0x9a: {  	s5 =	simm.s32 $_size__tile_overlayer_lowered;
	s6 =	simm.s32 $_tile_overlayer_lowered  }
0x9b: {  	s22 =	simm.s32 $0x1BFF;
	s21 =	sshll.u32 s6, $0x1;
	s3 =	sadd.s32 s4, s19  }
0x9c: {  	s7 =	simm.s32 $0x0;
	s20 =	sshll.u32 s5, $0x1;
	s5 =	sadd.s32 s21, s3  }
0x9d: {  	[timem:s7], [sflag:s22] =	dma.local [hbm:s5], s20  }
0x9e: {  	_ =	swait.ge [sflag:s22], s20  }
0x9f: {  	s4 =	ssub.s32 $0x0, s20;
	[sflag:s22] =	ssyncset.done $0x0  }
0xa0: {  	[sflag:s22] =	ssyncadd.s32 s4;
	_ =	sdelay $0x1  }
0xa1: {  	s23 =	simm.s32 $0x1B8B  }
0xa2: {  	_ =	swait.ge [sflag:s23], $0x1  }
0xa3: {  	[sflag:s23] =	ssyncset.done $0x0  }
0xa4: {  	s25 =	simm.s32 $0x1B8E;
	s24 =	sld [smem:$0x3FFE];
	[sflag:s23] =	ssyncadd.s32 $0xFFFFFFFF  }
0xa5: {  	s26 =	simm.s32 $execute0_lowered;
	[smem:$0x3FD2] =	sst s25  }
0xa6: {  	s5 =	sshll.u32 s26, $0x1;
	_ =	strace $0x80000046;
	[dreg:$0x1] =	wrdreg $0xFFFFFFFF  }
0xa7: {  	s28 =	simm.s32 $_size_execute0_lowered;
	s3 =	sadd.s32 s3, s5;
	[dreg:$0x0] =	wrdreg $0x0  }
0xa8: {  	s5 =	sshll.u32 s28, $0x1;
	[dreg:$0x2] =	wrdreg s3  }
0xa9: {  	[dreg:$0x3] =	wrdreg s5  }
0xaa: {  	[dreg:$0x4] =	wrdreg $0xC0  }
0xab: {  	_ =	task [dreg:s7], $0x5FFFF  }
0xac: {  	[dreg:$0x1] =	wrdreg $0xFFFFFFFF  }
0xad: {  	[dreg:$0x0] =	wrdreg $0x60  }
0xae: {  	[dreg:$0x2] =	wrdreg s24  }
0xaf: {  	[dreg:$0x3] =	wrdreg s2  }
0xb0: {  	[dreg:$0x4] =	wrdreg $0x90800  }
0xb1: {  	[dreg:$0x5] =	wrdreg $0x1D1000  }
0xb2: {  	[dreg:$0x6] =	wrdreg $0x9  }
0xb3: {  	_ =	task.clear_ibuf [dreg:s7], $0x7FFFF;
	_ =	strace $0x90000046  }
0xb4: {  	s29 =	simm.s32 $0x9;
	_ =	strace $0x80000048  }
0xb5: {  	_ =	swait.ge [sflag:s29], $0x1  }
0xb6: {  	[sflag:s29] =	ssyncadd.s32 $0xFFFFFFFF  }
0xb7: {  	_ =	strace $0x90000048  }
0xb8: {  	_ =	sfence  }
0xb9: {  	s30 =	sld [smem:$0x0];
	_ =	sdelay $0x2  }
0xba: {  	s31 =	sshll.u32 s1, $0xD;
	s1 =	sshrl.u32 s1, $0x2  }
0xbb: {  	s3 =	sand.u32 $0x4000, s31;
	s1 =	sadd.s32 s1, s30  }
0xbc: {  	s0 =	sor.u32 s3, s0;
	s1 =	sshll.u32 s1, $0x11  }
0xbd: {  	s0 =	sor.u32 s1, s0  }
0xbe: {  	s0 =	sadd.s32 $0x8F2B, s0  }
0xbf: {  	[sflag:s0] =	ssyncadd.remote.s32 $0x1  }
0xc0: {  	_ =	sfence.sel $0xFFFF  }
0xc1: {  	[dreg:$0x0] =	wrdreg $0xFFFFFFFF;
	(pc) =	sbr.abs _section_cstart, $3  }
0xc2: {  	[dreg:$0x1] =	wrdreg $0xFFFFFFFF  }
0xc3: {  	_ =	task.clear_ibuf [dreg:s7], $0x2FFFF;
	_ =	strace $0x9FFFFFFF  }
0xc4: {  	(tm) =	ssettm $0x7FFFFFFF  }
0xc5: {  	_ =	shalt  }
tec
execute0_lowered:
.L_overlay_start_1:
0x0: {  	(tag) =	ssettag $0x1  }
0x1: {  	s1 =	rddreg [dreg:$0x0]  }
0x2: {  	s0 =	srdreg.scid;
	s14 =	rddreg [dreg:$0x1]  }
0x3: {  	s10 =	stileid.u32;
	s2 =	rddreg [dreg:$0x2];
	s28 =	simm.s32 $0x80  }
0x4: {  	s29 =	simm.s32 $0x1;
	s30 =	simm.s32 $0x1D080;
	s31 =	simm.s32 $0x0  }
0x5: {  	s0 =	sand.u32 $0x1, s0;
	s16 =	smul.u32 $0x280, s10;
	s5 =	sadd.s32 $0x17C00, s1  }
0x6: {  	s22 =	sadd.s32 $0xDFC00, s1;
	s7 =	sadd.s32 $0xE0400, s1;
	s23 =	smul.u32 $0x50000, s10  }
0x7: {  	s3 =	sshll.u32 s0, $0x4;
	s6 =	smul.u32 $0x2800, s0;
	s0 =	ssub.s32 $0x2, s0  }
0x8: {  	s4 =	sor.u32 s10, s3;
	s3 =	rddreg [dreg:$0x3];
	s17 =	sadd.s32 $0x80, s16  }
0x9: {  	s24 =	sshrl.u32 s0, $0x1;
	s18 =	sadd.s32 $0x100, s16;
	s19 =	sadd.s32 $0x180, s16  }
0xa: {  	s21 =	sadd.s32 $0x200, s16;
	s15 =	smul.u32 $0x500, s4;
	s4 =	simm.s32 $0x0  }
0xb: {  	s8 =	sadd.s32 s16, s6;
	s25 =	sshll.u32 s17, $0x7;
	s0 =	ssub.s32 s0, s24  }
0xc: {  	s26 =	sshll.u32 s18, $0x7;
	s11 =	sshll.u32 s19, $0x7;
	s12 =	sshll.u32 s21, $0x7  }
0xd: {  	s24 =	simm.s32 $0x2;
	[smem:$0x7FF] =	sst s4;
	s9 =	sshll.u32 s8, $0x4  }
0xe: {  	s8 =	sshrl.u32 s8, $0x3;
	s10 =	sadd.s32 s26, s2;
	s11 =	sadd.s32 s11, s2  }
0xf: {  	s12 =	sadd.s32 s12, s2;
	_ =	strace $0x80000047;
	s13 =	sadd.s32 s15, s1  }
0x10: {  	[dreg:$0x5] =	wrdreg s22;
	s20 =	sadd.s32 s9, s1;
	s1 =	sadd.s32 s8, s1  }
0x11: {  	s9 =	sshrl.u32 s23, $0x2;
	s14 =	sadd.s32 s14, s15;
	s15 =	sadd.s32 s16, s3  }
0x12: {  	s16 =	sadd.s32 s17, s3;
	s17 =	sadd.s32 s18, s3;
	s18 =	sadd.s32 s19, s3  }
0x13: {  	s19 =	sadd.s32 s21, s3;
	s22 =	smax.u32 s0, $0x1;
	s23 =	simm.s32 $0x5000  }
0x14: {  	s8 =	sadd.s32 s9, s2;
	s9 =	sadd.s32 s25, s2;
	s13 =	sadd.s32 $0xDC00, s13  }
0x15: {  	v0 =	vimm.f32 $1.000000000e+00;
	s20 =	sadd.s32 $0xE1000, s20;
	s21 =	sadd.s32 $0xE0600, s1;
	s25 =	simm.s32 $0x9000  }
.LBB2_1:
0x16: {  	s0 =	rddreg [dreg:$0x5]  }
0x17: {  	[tilespmem:s23], [sflag:$0x2] =	stream.linear.gather [hbm4b:s0+s4], $0x4000, $0x38;
	[tilespmem:$0x1D380] =	vst v63  }
0x18: {  	_ =	swait.ge [sflag:s24], $0x4000  }
0x19: {  	[sflag:s24] =	ssyncset.done $0x0  }
0x1a: {  	[sflag:s24] =	ssyncadd.s32 $0xFFFFC000  }
0x1b: {  	[tilespmem:s25], [sflag:$0x2] =	stream.linear.gather [hbm4b:s7+s4], $0x80, $0x38;
	[tilespmem:$0x1D380] =	vst v63  }
0x1c: {  	_ =	swait.ge [sflag:s24], $0x80  }
0x1d: {  	[sflag:s24] =	ssyncset.done $0x0  }
0x1e: {  	[sflag:s24] =	ssyncadd.s32 $0xFFFFFF80  }
0x1f: {  	[spmem:s8] =	stream.linear.scatter [tilespmem:s23], [sflag:$0x2], $0x4000, $0x38;
	[tilespmem:$0x1D380] =	vst v63  }
0x20: {  	_ =	swait.ge [sflag:s24], $0x4000  }
0x21: {  	[sflag:s24] =	ssyncset.done $0x0  }
0x22: {  	[sflag:s24] =	ssyncadd.s32 $0xFFFFC000  }
0x23: {  	[spmem:s9] =	stream.linear.scatter [tilespmem:s23], [sflag:$0x2], $0x4000, $0x38;
	[tilespmem:$0x1D380] =	vst v63  }
0x24: {  	_ =	swait.ge [sflag:s24], $0x4000  }
0x25: {  	[sflag:s24] =	ssyncset.done $0x0  }
0x26: {  	[sflag:s24] =	ssyncadd.s32 $0xFFFFC000  }
0x27: {  	[spmem:s10] =	stream.linear.scatter [tilespmem:s23], [sflag:$0x2], $0x4000, $0x38;
	[tilespmem:$0x1D380] =	vst v63  }
0x28: {  	_ =	swait.ge [sflag:s24], $0x4000  }
0x29: {  	[sflag:s24] =	ssyncset.done $0x0  }
0x2a: {  	[sflag:s24] =	ssyncadd.s32 $0xFFFFC000  }
0x2b: {  	[spmem:s11] =	stream.linear.scatter [tilespmem:s23], [sflag:$0x2], $0x4000, $0x38;
	[tilespmem:$0x1D380] =	vst v63  }
0x2c: {  	_ =	swait.ge [sflag:s24], $0x4000  }
0x2d: {  	[sflag:s24] =	ssyncset.done $0x0  }
0x2e: {  	[sflag:s24] =	ssyncadd.s32 $0xFFFFC000  }
0x2f: {  	[spmem:s12] =	stream.linear.scatter [tilespmem:s23], [sflag:$0x2], $0x4000, $0x38;
	[tilespmem:$0x1D380] =	vst v63  }
0x30: {  	_ =	swait.ge [sflag:s24], $0x4000  }
0x31: {  	[sflag:s24] =	ssyncset.done $0x0  }
0x32: {  	[sflag:s24] =	ssyncadd.s32 $0xFFFFC000  }
0x33: {  	[tilespmem:s4], [sflag:$0x2] =	stream.linear.gather [hbm4b:s13+s4], $0x2800, $0x38;
	[tilespmem:$0x1D380] =	vst v63  }
0x34: {  	_ =	swait.ge [sflag:s24], $0x2800  }
0x35: {  	[sflag:s24] =	ssyncset.done $0x0  }
0x36: {  	s1 =	simm.s32 $0x2800;
	[sflag:s24] =	ssyncadd.s32 $0xFFFFD800  }
0x37: {  	[tilespmem:s1], [sflag:$0x2] =	stream.linear.gather [hbm4b:s14+s4], $0x2800, $0x38;
	[tilespmem:$0x1D380] =	vst v63  }
0x38: {  	_ =	swait.ge [sflag:s24], $0x2800  }
0x39: {  	[sflag:s24] =	ssyncset.done $0x0  }
0x3a: {  	[sflag:s24] =	ssyncadd.s32 $0xFFFFD800  }
0x3b: {  	[spmem:s15] =	stream.linear.scatter [tilespmem:s25], [sflag:$0x2], $0x80, $0x38;
	[tilespmem:$0x1D380] =	vst v63  }
0x3c: {  	_ =	swait.ge [sflag:s24], $0x80  }
0x3d: {  	[sflag:s24] =	ssyncset.done $0x0  }
0x3e: {  	[sflag:s24] =	ssyncadd.s32 $0xFFFFFF80  }
0x3f: {  	[spmem:s16] =	stream.linear.scatter [tilespmem:s25], [sflag:$0x2], $0x80, $0x38;
	[tilespmem:$0x1D380] =	vst v63  }
0x40: {  	_ =	swait.ge [sflag:s24], $0x80  }
0x41: {  	[sflag:s24] =	ssyncset.done $0x0  }
0x42: {  	[sflag:s24] =	ssyncadd.s32 $0xFFFFFF80  }
0x43: {  	[spmem:s17] =	stream.linear.scatter [tilespmem:s25], [sflag:$0x2], $0x80, $0x38;
	[tilespmem:$0x1D380] =	vst v63  }
0x44: {  	_ =	swait.ge [sflag:s24], $0x80  }
0x45: {  	[sflag:s24] =	ssyncset.done $0x0  }
0x46: {  	[sflag:s24] =	ssyncadd.s32 $0xFFFFFF80  }
0x47: {  	[spmem:s18] =	stream.linear.scatter [tilespmem:s25], [sflag:$0x2], $0x80, $0x38;
	[tilespmem:$0x1D380] =	vst v63  }
0x48: {  	_ =	swait.ge [sflag:s24], $0x80  }
0x49: {  	[sflag:s24] =	ssyncset.done $0x0  }
0x4a: {  	[sflag:s24] =	ssyncadd.s32 $0xFFFFFF80  }
0x4b: {  	[spmem:s19] =	stream.linear.scatter [tilespmem:s25], [sflag:$0x2], $0x80, $0x38;
	[tilespmem:$0x1D380] =	vst v63  }
0x4c: {  	_ =	swait.ge [sflag:s24], $0x80  }
0x4d: {  	[sflag:s24] =	ssyncset.done $0x0  }
0x4e: {  	[sflag:s24] =	ssyncadd.s32 $0xFFFFFF80  }
0x4f: {  	[tilespmem:$0x1D080] =	vst v0  }
0x50: {  	[tilespmem:$0x1D090] =	vst v0  }
0x51: {  	[tilespmem:$0x1D0A0] =	vst v0  }
0x52: {  	[tilespmem:$0x1D0B0] =	vst v0  }
0x53: {  	[tilespmem:$0x1D0C0] =	vst v0  }
0x54: {  	[tilespmem:$0x1D0D0] =	vst v0  }
0x55: {  	[tilespmem:$0x1D0E0] =	vst v0  }
0x56: {  	[tilespmem:$0x1D0F0] =	vst v0  }
0x57: {  	s6 =	simm.s32 $0x0;
	[bflag:$0x0] =	sbarrier.arrive $0xFFFF  }
0x58: {  	[tilespmem:s23], [sflag:$0x1] =	stream.indirect.gather [hbm4b:s5+s28], $0x80, s6, s28, $0xb8;
	[tilespmem:$0x1D380] =	vst v63  }
0x59: {  	_ =	swait.ge [sflag:s29], $0x4000  }
0x5a: {  	[sflag:s29] =	ssyncset.done $0x0  }
0x5b: {  	s26 =	simm.s32 $0x2800;
	[sflag:s29] =	ssyncadd.s32 $0xFFFFC000  }
0x5c: {  	[spmem:s2] =	stream.indirect.scatter.add.f32 [tilespmem:s23], [sflag:$0x2], $0x80, s26, s28, $0xb8;
	[tilespmem:$0x1D380] =	vst v63  }
0x5d: {  	_ =	swait.ge [sflag:s24], $0x4000  }
0x5e: {  	[sflag:s24] =	ssyncset.done $0x0  }
0x5f: {  	[sflag:s24] =	ssyncadd.s32 $0xFFFFC000  }
0x60: {  	[spmem:s3] =	stream.indirect.scatter.add.f32 [tilespmem:s30], [sflag:$0x2], $0x1, s26, s28, $0xb8;
	[tilespmem:$0x1D380] =	vst v63  }
0x61: {  	_ =	swait.ge [sflag:s24], $0x80  }
0x62: {  	s0 =	simm.s32 $0x400;
	s1 =	simm.s32 $0x200;
	[sflag:s24] =	ssyncset.done $0x0  }
.LBB2_2:
0x63: {  	s26 =	sshra.s32 s1, $0x2  }
0x64: {  	[sflag:s24] =	ssyncadd.s32 $0xFFFFFF80;
	s1 =	smov.u32 s0;
	s6 =	sadd.s32 $0x200, s0  }
0x65: {  	[tilespmem:s23], [sflag:$0x1] =	stream.indirect.gather [hbm4b:s5+s28], $0x80, s26, s28, $0xb8;
	[tilespmem:$0x1D380] =	vst v63  }
0x66: {  	p0 =	sne.s32 s0, $0x9E00;
	_ =	swait.ge [sflag:s29], $0x4000  }
0x67: {  	[sflag:s29] =	ssyncset.done $0x0  }
0x68: {  	s0 =	sadd.s32 $0x2800, s26;
	[sflag:s29] =	ssyncadd.s32 $0xFFFFC000  }
0x69: {  	[spmem:s2] =	stream.indirect.scatter.add.f32 [tilespmem:s23], [sflag:$0x2], $0x80, s0, s28, $0xb8;
	[tilespmem:$0x1D380] =	vst v63  }
0x6a: {  	_ =	swait.ge [sflag:s24], $0x4000  }
.Ltmp0:
0x6b: {  	[sflag:s24] =	ssyncset.done $0x0;
	(pc) =	sbr.rel @p0 .LBB2_2-.Ltmp0, $4  }
0x6c: {  	[sflag:s24] =	ssyncadd.s32 $0xFFFFC000  }
0x6d: {  	[spmem:s3] =	stream.indirect.scatter.add.f32 [tilespmem:s30], [sflag:$0x2], $0x1, s0, s28, $0xb8;
	[tilespmem:$0x1D380] =	vst v63  }
0x6e: {  	_ =	swait.ge [sflag:s24], $0x80  }
0x6f: {  	s0 =	smov.u32 s6;
	[sflag:s24] =	ssyncset.done $0x0  }
0x70: {  	s0 =	sshra.s32 s1, $0x2;
	[sflag:s24] =	ssyncadd.s32 $0xFFFFFF80  }
0x71: {  	[tilespmem:s23], [sflag:$0x1] =	stream.indirect.gather [hbm4b:s5+s28], $0x80, s0, s28, $0xb8;
	[tilespmem:$0x1D380] =	vst v63  }
0x72: {  	_ =	swait.ge [sflag:s29], $0x4000  }
0x73: {  	[sflag:s29] =	ssyncset.done $0x0  }
0x74: {  	s0 =	sadd.s32 $0x2800, s0;
	[sflag:s29] =	ssyncadd.s32 $0xFFFFC000  }
0x75: {  	[spmem:s2] =	stream.indirect.scatter.add.f32 [tilespmem:s23], [sflag:$0x2], $0x80, s0, s28, $0xb8;
	[tilespmem:$0x1D380] =	vst v63  }
0x76: {  	_ =	swait.ge [sflag:s24], $0x4000  }
0x77: {  	[sflag:s24] =	ssyncset.done $0x0  }
0x78: {  	[sflag:s24] =	ssyncadd.s32 $0xFFFFC000  }
0x79: {  	[spmem:s3] =	stream.indirect.scatter.add.f32 [tilespmem:s30], [sflag:$0x2], $0x1, s0, s28, $0xb8;
	[tilespmem:$0x1D380] =	vst v63  }
0x7a: {  	_ =	swait.ge [sflag:s24], $0x80  }
0x7b: {  	s1 =	stileid.u32;
	[sflag:s24] =	ssyncset.done $0x0  }
0x7c: {  	s0 =	sshll.u32 s1, $0x6;
	[sflag:s24] =	ssyncadd.s32 $0xFFFFFF80  }
0x7d: {  	s6 =	sshrl.u32 s8, $0x3;
	s0 =	sor.u32 $0x1C02, s0;
	[bflag:$0x0] =	sbarrier.arrive $0xFFFF  }
0x7e: {  	[hbm:s20], [sflag:s0] =	dma.local [spmem:s6], $0x2800  }
0x7f: {  	s31 =	sadd.s32 $0x1, s31;
	_ =	swait.ge [sflag:s24], $0x2800  }
0x80: {  	p0 =	sne.s32 s31, s22;
	[sflag:s24] =	ssyncset.done $0x0  }
.Ltmp1:
0x81: {  	s26 =	sshrl.u32 s15, $0x3;
	[sflag:s24] =	ssyncadd.s32 $0xFFFFD800;
	(pc) =	sbr.rel @p0 .LBB2_1-.Ltmp1, $4  }
0x82: {  	[hbm:s21], [sflag:s0] =	dma.local [spmem:s26], $0x50  }
0x83: {  	_ =	swait.ge [sflag:s24], $0x50  }
0x84: {  	[sflag:s24] =	ssyncset.done $0x0  }
0x85: {  	[sflag:s24] =	ssyncadd.s32 $0xFFFFFFB0  }
0x86: {  	_ =	sfence.sel $0x180000  }
0x87: {  	[bflag:$0x0] =	sbarrier.arrive $0xFFFF  }
0x88: {  	_ =	strace $0x90000047  }
0x89: {  	s0 =	stileid.u32;
	[bflag:$0x2] =	sbarrier.arrive $0xFFFF  }
0x8a: {  	p0 =	sne.s32 s0, $0x0;
	s0 =	rddreg [dreg:$0x4]  }
0x8b: {  	s0 =	sadd.s32 @!p0 $0x100000, s0  }
0x8c: {  	[sflag:s0] =	ssyncadd.tile.s32 @!p0 $0x1;
	_ =	shalt  }
.Lfunc_end2:
_tile_overlayer_lowered:
.L_overlay_start_2:
0x8d: {  	(tag) =	ssettag $0x2  }
0x8e: {  	s0 =	rddreg [dreg:$0x0];
	s2 =	stileid.u32  }
0x8f: {  	s1 =	rddreg [dreg:$0x1];
	p0 =	sne.s32 s2, $0x0  }
0x90: {  	s3 =	rddreg [dreg:$0x2];
	[bflag:$0x3] =	sbarrier.arrive $0xFFFF;
	s2 =	simm.s32 @!p0 $0x1C02  }
0x91: {  	[timem:s3], [sflag:s2] =	dma.local @!p0 [hbm:s0], s1  }
0x92: {  	s0 =	simm.s32 @!p0 $0x2  }
0x93: {  	_ =	swait.ge @!p0 [sflag:s0], s1  }
0x94: {  	s1 =	ssub.s32 @!p0 $0x0, s1;
	[sflag:s0] =	ssyncset.done @!p0 $0x0  }
0x95: {  	[sflag:s0] =	ssyncadd.s32 @!p0 s1  }
0x96: {  	[bflag:$0x3] =	sbarrier.arrive $0xFFFF  }
0x97: {  	_ =	shalt  }

// kernel: kernel.18.cloned.1.call-start
scs
__scs_entry_jumppad:
0x0: {  	(pc) =	sbr.rel $0x88, $3  }
0x1: {  	(tag) =	ssettag $0x0;
	lr =	simm.s32 $0x1  }
0x2: {  	[smem:$0x3F92] =	sst lr;
	_ =	strace $0xD0000000  }
0x3: {  	_ = 	snop  }
0x4: {  	_ = 	snop  }
0x5: {  	_ = 	snop  }
0x6: {  	_ = 	snop  }
0x7: {  	_ = 	snop  }
__scs_overlays_trampoline_lowered:
0x8: {  	[smem:$0x3FA1] =	sst s0  }
0x9: {  	[smem:$0x3FA2] =	sst s1  }
0xa: {  	[smem:$0x3FA3] =	sst s2  }
0xb: {  	[smem:$0x3FA4] =	sst s3  }
0xc: {  	[smem:$0x3FA5] =	sst s4  }
0xd: {  	[smem:$0x3FA6] =	sst s5  }
0xe: {  	[smem:$0x3FA7] =	sst s6  }
0xf: {  	[smem:$0x3FA8] =	sst s7  }
0x10: {  	[smem:$0x3FA9] =	sst s8  }
0x11: {  	[smem:$0x3FAA] =	sst s9;
	s0 =	simm.s32 @!p0 $0x0  }
0x12: {  	s1 =	sld [smem:$0x3F90];
	s0 =	simm.s32 @p0 $0x1  }
0x13: {  	[smem:$0x3FAB] =	sst s0;
	s0 =	simm.s32 @!p1 $0x0  }
0x14: {  	s2 =	sld [smem:$0x3F8F];
	s0 =	simm.s32 @p1 $0x1  }
0x15: {  	[smem:$0x3FAC] =	sst s0;
	s0 =	simm.s32 @!p2 $0x0  }
0x16: {  	s3 =	sld [smem:$0x3FDB];
	s0 =	simm.s32 @p2 $0x1  }
0x17: {  	s4 =	simm.s32 $0x1BF5;
	[smem:$0x3FAE] =	sst s0  }
0x18: {  	s0 =	sld [smem:$0x3F91];
	_ =	swait.ge [sflag:s4], $0x0  }
0x19: {  	s7 =	sld [smem:$0x3F92]  }
0x1a: {  	s8 =	sadd.s32 $0xFFFFE003, lr  }
0x1b: {  	s9 =	sadd.s32 $0xFFFFFEF7, lr;
	s5 =	simm.s32 $0xFFFFFFFF;
	p2 =	slt.u32 s8, $0xFFFFF086  }
0x1c: {  	p1 =	slt.u32 s9, $0xF7A;
	s5 =	simm.s32 @!p2 $0x0  }
0x1d: {  	s5 =	simm.s32 @p1 $0x1;
	p0 =	seq.s32 s7, s2  }
0x1e: {  	s7 =	smul.u32 @!p0 $0xF7A, s2;
	p2 =	seq.s32 @!p0 s5, $0x0  }
0x1f: {  	s9 =	smul.u32 $0xF7A, s1;
	s8 =	simm.s32 @!p0 $0x1BF5;
	p2 =	por !p2, p0  }
0x20: {  	[sflag:s8] =	ssyncset.s32 @!p0 $0xFFFFF086;
	s6 =	sadd.s32 @!p0 s3, s7;
	s7 =	simm.s32 @!p0 $0x108  }
0x21: {  	s3 =	sadd.s32 s3, s9;
	s6 =	sadd.s32 @!p0 $0x88, s6;
	s7 =	simm.s32 @p2 $0x1082  }
0x22: {  	[simem:s7], [sflag:s8] =	dma.local @!p0 [hbm:s6], $0xF7A  }
0x23: {  	s9 =	sor.u32 $0xD0000000, s2;
	s6 =	simm.s32 $0x108;
	_ =	swait.ge @!p0 [sflag:s8], $0x0  }
0x24: {  	s3 =	sadd.s32 $0x88, s3;
	s6 =	simm.s32 @!p1 $0x1082;
	[sflag:s4] =	ssyncset.s32 $0xFFFFF086  }
0x25: {  	[simem:s6], [sflag:s4] =	dma.local [hbm:s3], $0xF7A  }
0x26: {  	[smem:$0x3F92] =	sst s1;
	(tag) =	ssettag s2;
	_ =	strace s9  }
0x27: {  	s1 =	sld [smem:$0x3FA2]  }
0x28: {  	s2 =	sld [smem:$0x3FA3]  }
0x29: {  	s4 =	sld [smem:$0x3FA5]  }
0x2a: {  	p0 =	seq.s32 s5, $0x0;
	s5 =	sld [smem:$0x3FA6]  }
0x2b: {  	s6 =	sld [smem:$0x3FA7]  }
0x2c: {  	s7 =	sld [smem:$0x3FA8]  }
0x2d: {  	s3 =	simm.s32 $0x108;
	s8 =	sld [smem:$0x3FA9]  }
0x2e: {  	s3 =	simm.s32 @!p0 $0x1082;
	s9 =	sld [smem:$0x3FAA]  }
0x2f: {  	lr =	sadd.s32 s0, s3;
	s0 =	sld [smem:$0x3FA1]  }
0x30: {  	s3 =	sld [smem:$0x3FA4]  }
0x31: {  	[smem:$0x3FAD] =	sst s10  }
0x32: {  	s10 =	sld [smem:$0x3FAB];
	_ =	sdelay $0x3  }
0x33: {  	p0 =	seq.s32 s10, $0x1;
	s10 =	sld [smem:$0x3FAD];
	_ =	sdelay $0x3  }
0x34: {  	[smem:$0x3FAD] =	sst s10  }
0x35: {  	s10 =	sld [smem:$0x3FAC];
	_ =	sdelay $0x3  }
0x36: {  	p1 =	seq.s32 s10, $0x1;
	s10 =	sld [smem:$0x3FAD];
	_ =	sdelay $0x3  }
0x37: {  	[smem:$0x3FAD] =	sst s10  }
0x38: {  	s10 =	sld [smem:$0x3FAE]  }
0x39: {  	_ = 	snop;
	(pc) =	sbr.ind lr, $3  }
0x3a: {  	_ = 	snop  }
0x3b: {  	_ = 	snop  }
0x3c: {  	p2 =	seq.s32 s10, $0x1;
	s10 =	sld [smem:$0x3FAD]  }
0x3d: {  	_ =	shalt  }
0x3e: {  	_ =	shalt  }
0x3f: {  	_ =	shalt  }
0x40: {  	_ =	shalt  }
0x41: {  	_ =	shalt  }
0x42: {  	_ =	shalt  }
0x43: {  	_ =	shalt  }
0x44: {  	_ =	shalt  }
0x45: {  	_ =	shalt  }
0x46: {  	_ =	shalt  }
0x47: {  	_ =	shalt  }
0x48: {  	_ =	shalt  }
0x49: {  	_ =	shalt  }
0x4a: {  	_ =	shalt  }
0x4b: {  	_ =	shalt  }
0x4c: {  	_ =	shalt  }
0x4d: {  	_ =	shalt  }
0x4e: {  	_ =	shalt  }
0x4f: {  	_ =	shalt  }
0x50: {  	_ =	shalt  }
0x51: {  	_ =	shalt  }
0x52: {  	_ =	shalt  }
0x53: {  	_ =	shalt  }
0x54: {  	_ =	shalt  }
0x55: {  	_ =	shalt  }
0x56: {  	_ =	shalt  }
0x57: {  	_ =	shalt  }
0x58: {  	_ =	shalt  }
0x59: {  	_ =	shalt  }
0x5a: {  	_ =	shalt  }
0x5b: {  	_ =	shalt  }
0x5c: {  	_ =	shalt  }
0x5d: {  	_ =	shalt  }
0x5e: {  	_ =	shalt  }
0x5f: {  	_ =	shalt  }
0x60: {  	_ =	shalt  }
0x61: {  	_ =	shalt  }
0x62: {  	_ =	shalt  }
0x63: {  	_ =	shalt  }
0x64: {  	_ =	shalt  }
0x65: {  	_ =	shalt  }
0x66: {  	_ =	shalt  }
0x67: {  	_ =	shalt  }
0x68: {  	_ =	shalt  }
0x69: {  	_ =	shalt  }
0x6a: {  	_ =	shalt  }
0x6b: {  	_ =	shalt  }
0x6c: {  	_ =	shalt  }
0x6d: {  	_ =	shalt  }
0x6e: {  	_ =	shalt  }
0x6f: {  	_ =	shalt  }
0x70: {  	_ =	shalt  }
0x71: {  	_ =	shalt  }
0x72: {  	_ =	shalt  }
0x73: {  	_ =	shalt  }
0x74: {  	_ =	shalt  }
0x75: {  	_ =	shalt  }
0x76: {  	_ =	shalt  }
0x77: {  	_ =	shalt  }
0x78: {  	_ =	shalt  }
0x79: {  	_ =	shalt  }
0x7a: {  	_ =	shalt  }
0x7b: {  	_ =	shalt  }
0x7c: {  	_ =	shalt  }
0x7d: {  	_ =	shalt  }
0x7e: {  	_ =	shalt  }
0x7f: {  	_ =	shalt  }
0x80: {  	_ =	shalt  }
0x81: {  	_ =	shalt  }
0x82: {  	_ =	shalt  }
0x83: {  	_ =	shalt  }
0x84: {  	_ =	shalt  }
0x85: {  	_ =	shalt  }
0x86: {  	_ =	shalt  }
0x87: {  	_ =	shalt  }
.Lfunc_end0:
.L_simem_size_0:
called_computation.1_lowered:
.L_overlay_start_0:
0x88: {  	s2 =	sld [smem:$0x3FD9]  }
0x89: {  	s3 =	sld [smem:$0x3FFE];
	_ =	sdelay $0x1  }
0x8a: {  	s1 =	srdreg.scid  }
0x8b: {  	s0 =	sand.u32 $0x1, s1  }
0x8c: {  	s17 =	sshll.u32 s0, $0xA;
	s2 =	sadd.s32 s3, s2  }
0x8d: {  	s2 =	sadd.s32 s2, s17  }
0x8e: {  	[smem:$0x3FB9] =	sst s2  }
0x8f: {  	_ = 	snop  }
0x90: {  	s2 =	sld [smem:$0x3FD0];
	(tm) =	ssettm $0x1  }
0x91: {  	s18 =	sld [smem:$0x3FFB];
	_ =	sdelay $0x3  }
0x92: {  	_ =	strace s18  }
0x93: {  	s3 =	sld [smem:$0x3FFC];
	_ =	sdelay $0x3  }
0x94: {  	_ =	strace s3  }
0x95: {  	s3 =	sld [smem:$0x3FFD];
	_ =	sdelay $0x3  }
0x96: {  	_ =	strace s3  }
0x97: {  	_ =	strace $0x8FFFFFFF  }
0x98: {  	s19 =	sld [smem:$0x3FDB];
	_ =	sdelay $0x1  }
0x99: {  	s4 =	simm.s32 $_scs_section_size  }
0x9a: {  	s5 =	simm.s32 $_size__tile_overlayer_lowered;
	s6 =	simm.s32 $_tile_overlayer_lowered  }
0x9b: {  	s22 =	simm.s32 $0x1BFF;
	s21 =	sshll.u32 s6, $0x1;
	s3 =	sadd.s32 s4, s19  }
0x9c: {  	s7 =	simm.s32 $0x0;
	s20 =	sshll.u32 s5, $0x1;
	s5 =	sadd.s32 s21, s3  }
0x9d: {  	[timem:s7], [sflag:s22] =	dma.local [hbm:s5], s20  }
0x9e: {  	_ =	swait.ge [sflag:s22], s20  }
0x9f: {  	s4 =	ssub.s32 $0x0, s20;
	[sflag:s22] =	ssyncset.done $0x0  }
0xa0: {  	[sflag:s22] =	ssyncadd.s32 s4;
	_ =	sdelay $0x1  }
0xa1: {  	s23 =	simm.s32 $0x1B8B  }
0xa2: {  	_ =	swait.ge [sflag:s23], $0x1  }
0xa3: {  	[sflag:s23] =	ssyncset.done $0x0  }
0xa4: {  	s25 =	simm.s32 $0x1B8E;
	s24 =	sld [smem:$0x3FFE];
	[sflag:s23] =	ssyncadd.s32 $0xFFFFFFFF  }
0xa5: {  	s26 =	simm.s32 $execute0_lowered;
	[smem:$0x3FD2] =	sst s25  }
0xa6: {  	s5 =	sshll.u32 s26, $0x1;
	_ =	strace $0x80000049;
	[dreg:$0x1] =	wrdreg $0xFFFFFFFF  }
0xa7: {  	s28 =	simm.s32 $_size_execute0_lowered;
	s3 =	sadd.s32 s3, s5;
	[dreg:$0x0] =	wrdreg $0x0  }
0xa8: {  	s5 =	sshll.u32 s28, $0x1;
	[dreg:$0x2] =	wrdreg s3  }
0xa9: {  	[dreg:$0x3] =	wrdreg s5  }
0xaa: {  	[dreg:$0x4] =	wrdreg $0xC0  }
0xab: {  	_ =	task [dreg:s7], $0x5FFFF  }
0xac: {  	[dreg:$0x1] =	wrdreg $0xFFFFFFFF  }
0xad: {  	[dreg:$0x0] =	wrdreg $0x60  }
0xae: {  	[dreg:$0x2] =	wrdreg s24  }
0xaf: {  	[dreg:$0x3] =	wrdreg s2  }
0xb0: {  	[dreg:$0x4] =	wrdreg $0x90800  }
0xb1: {  	[dreg:$0x5] =	wrdreg $0x9  }
0xb2: {  	_ =	task.clear_ibuf [dreg:s7], $0x6FFFF;
	_ =	strace $0x90000049  }
0xb3: {  	s29 =	simm.s32 $0x9;
	_ =	strace $0x8000004B  }
0xb4: {  	_ =	swait.ge [sflag:s29], $0x1  }
0xb5: {  	[sflag:s29] =	ssyncadd.s32 $0xFFFFFFFF  }
0xb6: {  	_ =	strace $0x9000004B  }
0xb7: {  	_ =	sfence  }
0xb8: {  	s30 =	sld [smem:$0x0];
	_ =	sdelay $0x2  }
0xb9: {  	s31 =	sshll.u32 s1, $0xD;
	s1 =	sshrl.u32 s1, $0x2  }
0xba: {  	s3 =	sand.u32 $0x4000, s31;
	s1 =	sadd.s32 s1, s30  }
0xbb: {  	s0 =	sor.u32 s3, s0;
	s1 =	sshll.u32 s1, $0x11  }
0xbc: {  	s0 =	sor.u32 s1, s0  }
0xbd: {  	s0 =	sadd.s32 $0x8F2B, s0  }
0xbe: {  	[sflag:s0] =	ssyncadd.remote.s32 $0x1  }
0xbf: {  	_ =	sfence.sel $0xFFFF  }
0xc0: {  	[dreg:$0x0] =	wrdreg $0xFFFFFFFF;
	(pc) =	sbr.abs _section_cstart, $3  }
0xc1: {  	[dreg:$0x1] =	wrdreg $0xFFFFFFFF  }
0xc2: {  	_ =	task.clear_ibuf [dreg:s7], $0x2FFFF;
	_ =	strace $0x9FFFFFFF  }
0xc3: {  	(tm) =	ssettm $0x7FFFFFFF  }
tec
execute0_lowered:
.L_overlay_start_1:
0x0: {  	(tag) =	ssettag $0x1  }
0x1: {  	s7 =	rddreg [dreg:$0x0]  }
0x2: {  	s0 =	srdreg.scid;
	s13 =	rddreg [dreg:$0x1]  }
0x3: {  	s2 =	rddreg [dreg:$0x2];
	s3 =	simm.s32 $0x0;
	s17 =	simm.s32 $0x2  }
0x4: {  	s18 =	simm.s32 $0x9000;
	s19 =	simm.s32 $0x2800;
	s20 =	simm.s32 $0x80  }
0x5: {  	s21 =	simm.s32 $0x1;
	s8 =	sand.u32 $0x1, s0;
	s0 =	stileid.u32  }
0x6: {  	s24 =	simm.s32 $0x0;
	[smem:$0x7FF] =	sst s3;
	s9 =	smul.u32 $0x2800, s0  }
0x7: {  	s5 =	sadd.s32 $0xDFC00, s7;
	s6 =	sadd.s32 $0xE0400, s7;
	s10 =	smul.u32 $0x28000, s8  }
0x8: {  	s1 =	sshll.u32 s8, $0x4;
	s11 =	smul.u32 $0x50000, s0;
	s8 =	ssub.s32 $0x2, s8  }
0x9: {  	s22 =	sshll.u32 s0, $0x6;
	s4 =	sor.u32 s0, s1;
	s1 =	rddreg [dreg:$0x3]  }
0xa: {  	_ =	strace $0x8000004A;
	s31 =	sshrl.u32 s8, $0x1;
	s22 =	sor.u32 $0x1C02, s22  }
0xb: {  	s14 =	smul.u32 $0x500, s4;
	s4 =	sadd.s32 $0x17C00, s7;
	s9 =	sadd.s32 s9, s10  }
0xc: {  	s11 =	sshrl.u32 s11, $0x2;
	s16 =	ssub.s32 s8, s31;
	s15 =	sadd.s32 s9, s7  }
0xd: {  	s12 =	sadd.s32 s14, s7;
	s7 =	sadd.s32 s11, s2;
	s13 =	sadd.s32 s13, s14  }
0xe: {  	s14 =	sadd.s32 $0x3FC00, s15;
	s15 =	smax.u32 s16, $0x1;
	s16 =	simm.s32 $0x5000  }
0xf: {  	s8 =	sadd.s32 $0x4000, s7;
	s9 =	sadd.s32 $0x8000, s7;
	s10 =	sadd.s32 $0xC000, s7  }
0x10: {  	s11 =	sadd.s32 $0x10000, s7;
	s12 =	sadd.s32 $0x3C00, s12;
	s23 =	sshrl.u32 s7, $0x3  }
.LBB2_1:
0x11: {  	[tilespmem:s16], [sflag:$0x2] =	stream.linear.gather [hbm4b:s5+s3], $0x4000, $0x38;
	[tilespmem:$0x1D080] =	vst v63  }
0x12: {  	_ =	swait.ge [sflag:s17], $0x4000  }
0x13: {  	[sflag:s17] =	ssyncset.done $0x0  }
0x14: {  	[sflag:s17] =	ssyncadd.s32 $0xFFFFC000  }
0x15: {  	[tilespmem:s18], [sflag:$0x2] =	stream.linear.gather [hbm4b:s6+s3], $0x80, $0x38;
	[tilespmem:$0x1D080] =	vst v63  }
0x16: {  	_ =	swait.ge [sflag:s17], $0x80  }
0x17: {  	[sflag:s17] =	ssyncset.done $0x0  }
0x18: {  	[sflag:s17] =	ssyncadd.s32 $0xFFFFFF80  }
0x19: {  	[spmem:s7] =	stream.linear.scatter [tilespmem:s16], [sflag:$0x2], $0x4000, $0x38;
	[tilespmem:$0x1D080] =	vst v63  }
0x1a: {  	_ =	swait.ge [sflag:s17], $0x4000  }
0x1b: {  	[sflag:s17] =	ssyncset.done $0x0  }
0x1c: {  	[sflag:s17] =	ssyncadd.s32 $0xFFFFC000  }
0x1d: {  	[spmem:s8] =	stream.linear.scatter [tilespmem:s16], [sflag:$0x2], $0x4000, $0x38;
	[tilespmem:$0x1D080] =	vst v63  }
0x1e: {  	_ =	swait.ge [sflag:s17], $0x4000  }
0x1f: {  	[sflag:s17] =	ssyncset.done $0x0  }
0x20: {  	[sflag:s17] =	ssyncadd.s32 $0xFFFFC000  }
0x21: {  	[spmem:s9] =	stream.linear.scatter [tilespmem:s16], [sflag:$0x2], $0x4000, $0x38;
	[tilespmem:$0x1D080] =	vst v63  }
0x22: {  	_ =	swait.ge [sflag:s17], $0x4000  }
0x23: {  	[sflag:s17] =	ssyncset.done $0x0  }
0x24: {  	[sflag:s17] =	ssyncadd.s32 $0xFFFFC000  }
0x25: {  	[spmem:s10] =	stream.linear.scatter [tilespmem:s16], [sflag:$0x2], $0x4000, $0x38;
	[tilespmem:$0x1D080] =	vst v63  }
0x26: {  	_ =	swait.ge [sflag:s17], $0x4000  }
0x27: {  	[sflag:s17] =	ssyncset.done $0x0  }
0x28: {  	[sflag:s17] =	ssyncadd.s32 $0xFFFFC000  }
0x29: {  	[spmem:s11] =	stream.linear.scatter [tilespmem:s16], [sflag:$0x2], $0x4000, $0x38;
	[tilespmem:$0x1D080] =	vst v63  }
0x2a: {  	_ =	swait.ge [sflag:s17], $0x4000  }
0x2b: {  	[sflag:s17] =	ssyncset.done $0x0  }
0x2c: {  	[sflag:s17] =	ssyncadd.s32 $0xFFFFC000  }
0x2d: {  	[tilespmem:s3], [sflag:$0x2] =	stream.linear.gather [hbm4b:s12+s3], $0x2800, $0x38;
	[tilespmem:$0x1D080] =	vst v63  }
0x2e: {  	_ =	swait.ge [sflag:s17], $0x2800  }
0x2f: {  	[sflag:s17] =	ssyncset.done $0x0  }
0x30: {  	[sflag:s17] =	ssyncadd.s32 $0xFFFFD800  }
0x31: {  	[tilespmem:s19], [sflag:$0x2] =	stream.linear.gather [hbm4b:s13+s3], $0x2800, $0x38;
	[tilespmem:$0x1D080] =	vst v63  }
0x32: {  	_ =	swait.ge [sflag:s17], $0x2800  }
0x33: {  	[sflag:s17] =	ssyncset.done $0x0  }
0x34: {  	[sflag:s17] =	ssyncadd.s32 $0xFFFFD800  }
0x35: {  	s25 =	simm.s32 $0x0;
	[bflag:$0x0] =	sbarrier.arrive $0xFFFF  }
0x36: {  	[tilespmem:s16], [sflag:$0x1] =	stream.indirect.gather [hbm4b:s4+s20], $0x80, s25, s20, $0xb8;
	[tilespmem:$0x1D080] =	vst v63  }
0x37: {  	_ =	swait.ge [sflag:s21], $0x4000  }
0x38: {  	[sflag:s21] =	ssyncset.done $0x0  }
0x39: {  	s31 =	simm.s32 $0x2800;
	[sflag:s21] =	ssyncadd.s32 $0xFFFFC000  }
0x3a: {  	[spmem:s2] =	stream.indirect.scatter.add.f32 [tilespmem:s16], [sflag:$0x2], $0x80, s31, s20, $0xb8;
	[tilespmem:$0x1D080] =	vst v63  }
0x3b: {  	_ =	swait.ge [sflag:s17], $0x4000  }
0x3c: {  	s26 =	simm.s32 $0x400;
	s25 =	simm.s32 $0x200;
	[sflag:s17] =	ssyncset.done $0x0  }
.LBB2_2:
0x3d: {  	s28 =	sshra.s32 s25, $0x2  }
0x3e: {  	[sflag:s17] =	ssyncadd.s32 $0xFFFFC000;
	s25 =	smov.u32 s26;
	s29 =	sadd.s32 $0x200, s26  }
0x3f: {  	[tilespmem:s16], [sflag:$0x1] =	stream.indirect.gather [hbm4b:s4+s20], $0x80, s28, s20, $0xb8;
	[tilespmem:$0x1D080] =	vst v63  }
0x40: {  	p0 =	sne.s32 s26, $0x9E00;
	_ =	swait.ge [sflag:s21], $0x4000  }
.Ltmp0:
0x41: {  	[sflag:s21] =	ssyncset.done $0x0;
	(pc) =	sbr.rel @p0 .LBB2_2-.Ltmp0, $4  }
0x42: {  	s26 =	sadd.s32 $0x2800, s28;
	[sflag:s21] =	ssyncadd.s32 $0xFFFFC000  }
0x43: {  	[spmem:s2] =	stream.indirect.scatter.add.f32 [tilespmem:s16], [sflag:$0x2], $0x80, s26, s20, $0xb8;
	[tilespmem:$0x1D080] =	vst v63  }
0x44: {  	_ =	swait.ge [sflag:s17], $0x4000  }
0x45: {  	s26 =	smov.u32 s29;
	[sflag:s17] =	ssyncset.done $0x0  }
0x46: {  	s25 =	sshra.s32 s25, $0x2;
	[sflag:s17] =	ssyncadd.s32 $0xFFFFC000  }
0x47: {  	[tilespmem:s16], [sflag:$0x1] =	stream.indirect.gather [hbm4b:s4+s20], $0x80, s25, s20, $0xb8;
	[tilespmem:$0x1D080] =	vst v63  }
0x48: {  	_ =	swait.ge [sflag:s21], $0x4000  }
0x49: {  	[sflag:s21] =	ssyncset.done $0x0  }
0x4a: {  	s25 =	sadd.s32 $0x2800, s25;
	[sflag:s21] =	ssyncadd.s32 $0xFFFFC000  }
0x4b: {  	[spmem:s2] =	stream.indirect.scatter.add.f32 [tilespmem:s16], [sflag:$0x2], $0x80, s25, s20, $0xb8;
	[tilespmem:$0x1D080] =	vst v63  }
0x4c: {  	_ =	swait.ge [sflag:s17], $0x4000  }
0x4d: {  	s24 =	sadd.s32 $0x1, s24;
	[sflag:s17] =	ssyncset.done $0x0  }
0x4e: {  	p0 =	sne.s32 s24, s15;
	[sflag:s17] =	ssyncadd.s32 $0xFFFFC000  }
.Ltmp1:
0x4f: {  	[bflag:$0x0] =	sbarrier.arrive $0xFFFF;
	(pc) =	sbr.rel @p0 .LBB2_1-.Ltmp1, $4  }
0x50: {  	[hbm:s14], [sflag:s22] =	dma.local [spmem:s23], $0x2800  }
0x51: {  	_ =	swait.ge [sflag:s17], $0x2800  }
0x52: {  	[sflag:s17] =	ssyncset.done $0x0  }
0x53: {  	[sflag:s17] =	ssyncadd.s32 $0xFFFFD800  }
0x54: {  	_ =	sfence.sel $0x180000  }
0x55: {  	[bflag:$0x0] =	sbarrier.arrive $0xFFFF  }
0x56: {  	p0 =	sne.s32 s0, $0x0;
	_ =	strace $0x9000004A  }
0x57: {  	s0 =	sadd.s32 @!p0 $0x100000, s1;
	[bflag:$0x2] =	sbarrier.arrive $0xFFFF  }
0x58: {  	[sflag:s0] =	ssyncadd.tile.s32 @!p0 $0x1;
	_ =	shalt  }
.Lfunc_end2:
_tile_overlayer_lowered:
.L_overlay_start_2:
0x59: {  	(tag) =	ssettag $0x2  }
0x5a: {  	s0 =	rddreg [dreg:$0x0];
	s2 =	stileid.u32  }
0x5b: {  	s1 =	rddreg [dreg:$0x1];
	p0 =	sne.s32 s2, $0x0  }
0x5c: {  	s3 =	rddreg [dreg:$0x2];
	[bflag:$0x3] =	sbarrier.arrive $0xFFFF;
	s2 =	simm.s32 @!p0 $0x1C02  }
0x5d: {  	[timem:s3], [sflag:s2] =	dma.local @!p0 [hbm:s0], s1  }
0x5e: {  	s0 =	simm.s32 @!p0 $0x2  }
0x5f: {  	_ =	swait.ge @!p0 [sflag:s0], s1  }
0x60: {  	s1 =	ssub.s32 @!p0 $0x0, s1;
	[sflag:s0] =	ssyncset.done @!p0 $0x0  }
0x61: {  	[sflag:s0] =	ssyncadd.s32 @!p0 s1  }
0x62: {  	[bflag:$0x3] =	sbarrier.arrive $0xFFFF  }
0x63: {  	_ =	shalt  }

// kernel: kernel.21.cloned.1.call-start
scs
__scs_entry_jumppad:
0x0: {  	(pc) =	sbr.rel $0x88, $3  }
0x1: {  	(tag) =	ssettag $0x0;
	lr =	simm.s32 $0x1  }
0x2: {  	[smem:$0x3F92] =	sst lr;
	_ =	strace $0xD0000000  }
0x3: {  	_ = 	snop  }
0x4: {  	_ = 	snop  }
0x5: {  	_ = 	snop  }
0x6: {  	_ = 	snop  }
0x7: {  	_ = 	snop  }
__scs_overlays_trampoline_lowered:
0x8: {  	[smem:$0x3FA1] =	sst s0  }
0x9: {  	[smem:$0x3FA2] =	sst s1  }
0xa: {  	[smem:$0x3FA3] =	sst s2  }
0xb: {  	[smem:$0x3FA4] =	sst s3  }
0xc: {  	[smem:$0x3FA5] =	sst s4  }
0xd: {  	[smem:$0x3FA6] =	sst s5  }
0xe: {  	[smem:$0x3FA7] =	sst s6  }
0xf: {  	[smem:$0x3FA8] =	sst s7  }
0x10: {  	[smem:$0x3FA9] =	sst s8  }
0x11: {  	[smem:$0x3FAA] =	sst s9;
	s0 =	simm.s32 @!p0 $0x0  }
0x12: {  	s1 =	sld [smem:$0x3F90];
	s0 =	simm.s32 @p0 $0x1  }
0x13: {  	[smem:$0x3FAB] =	sst s0;
	s0 =	simm.s32 @!p1 $0x0  }
0x14: {  	s2 =	sld [smem:$0x3F8F];
	s0 =	simm.s32 @p1 $0x1  }
0x15: {  	[smem:$0x3FAC] =	sst s0;
	s0 =	simm.s32 @!p2 $0x0  }
0x16: {  	s3 =	sld [smem:$0x3FDB];
	s0 =	simm.s32 @p2 $0x1  }
0x17: {  	s4 =	simm.s32 $0x1BF5;
	[smem:$0x3FAE] =	sst s0  }
0x18: {  	s0 =	sld [smem:$0x3F91];
	_ =	swait.ge [sflag:s4], $0x0  }
0x19: {  	s7 =	sld [smem:$0x3F92]  }
0x1a: {  	s8 =	sadd.s32 $0xFFFFE003, lr  }
0x1b: {  	s9 =	sadd.s32 $0xFFFFFEF7, lr;
	s5 =	simm.s32 $0xFFFFFFFF;
	p2 =	slt.u32 s8, $0xFFFFF086  }
0x1c: {  	p1 =	slt.u32 s9, $0xF7A;
	s5 =	simm.s32 @!p2 $0x0  }
0x1d: {  	s5 =	simm.s32 @p1 $0x1;
	p0 =	seq.s32 s7, s2  }
0x1e: {  	s7 =	smul.u32 @!p0 $0xF7A, s2;
	p2 =	seq.s32 @!p0 s5, $0x0  }
0x1f: {  	s9 =	smul.u32 $0xF7A, s1;
	s8 =	simm.s32 @!p0 $0x1BF5;
	p2 =	por !p2, p0  }
0x20: {  	[sflag:s8] =	ssyncset.s32 @!p0 $0xFFFFF086;
	s6 =	sadd.s32 @!p0 s3, s7;
	s7 =	simm.s32 @!p0 $0x108  }
0x21: {  	s3 =	sadd.s32 s3, s9;
	s6 =	sadd.s32 @!p0 $0x88, s6;
	s7 =	simm.s32 @p2 $0x1082  }
0x22: {  	[simem:s7], [sflag:s8] =	dma.local @!p0 [hbm:s6], $0xF7A  }
0x23: {  	s9 =	sor.u32 $0xD0000000, s2;
	s6 =	simm.s32 $0x108;
	_ =	swait.ge @!p0 [sflag:s8], $0x0  }
0x24: {  	s3 =	sadd.s32 $0x88, s3;
	s6 =	simm.s32 @!p1 $0x1082;
	[sflag:s4] =	ssyncset.s32 $0xFFFFF086  }
0x25: {  	[simem:s6], [sflag:s4] =	dma.local [hbm:s3], $0xF7A  }
0x26: {  	[smem:$0x3F92] =	sst s1;
	(tag) =	ssettag s2;
	_ =	strace s9  }
0x27: {  	s1 =	sld [smem:$0x3FA2]  }
0x28: {  	s2 =	sld [smem:$0x3FA3]  }
0x29: {  	s4 =	sld [smem:$0x3FA5]  }
0x2a: {  	p0 =	seq.s32 s5, $0x0;
	s5 =	sld [smem:$0x3FA6]  }
0x2b: {  	s6 =	sld [smem:$0x3FA7]  }
0x2c: {  	s7 =	sld [smem:$0x3FA8]  }
0x2d: {  	s3 =	simm.s32 $0x108;
	s8 =	sld [smem:$0x3FA9]  }
0x2e: {  	s3 =	simm.s32 @!p0 $0x1082;
	s9 =	sld [smem:$0x3FAA]  }
0x2f: {  	lr =	sadd.s32 s0, s3;
	s0 =	sld [smem:$0x3FA1]  }
0x30: {  	s3 =	sld [smem:$0x3FA4]  }
0x31: {  	[smem:$0x3FAD] =	sst s10  }
0x32: {  	s10 =	sld [smem:$0x3FAB];
	_ =	sdelay $0x3  }
0x33: {  	p0 =	seq.s32 s10, $0x1;
	s10 =	sld [smem:$0x3FAD];
	_ =	sdelay $0x3  }
0x34: {  	[smem:$0x3FAD] =	sst s10  }
0x35: {  	s10 =	sld [smem:$0x3FAC];
	_ =	sdelay $0x3  }
0x36: {  	p1 =	seq.s32 s10, $0x1;
	s10 =	sld [smem:$0x3FAD];
	_ =	sdelay $0x3  }
0x37: {  	[smem:$0x3FAD] =	sst s10  }
0x38: {  	s10 =	sld [smem:$0x3FAE]  }
0x39: {  	_ = 	snop;
	(pc) =	sbr.ind lr, $3  }
0x3a: {  	_ = 	snop  }
0x3b: {  	_ = 	snop  }
0x3c: {  	p2 =	seq.s32 s10, $0x1;
	s10 =	sld [smem:$0x3FAD]  }
0x3d: {  	_ =	shalt  }
0x3e: {  	_ =	shalt  }
0x3f: {  	_ =	shalt  }
0x40: {  	_ =	shalt  }
0x41: {  	_ =	shalt  }
0x42: {  	_ =	shalt  }
0x43: {  	_ =	shalt  }
0x44: {  	_ =	shalt  }
0x45: {  	_ =	shalt  }
0x46: {  	_ =	shalt  }
0x47: {  	_ =	shalt  }
0x48: {  	_ =	shalt  }
0x49: {  	_ =	shalt  }
0x4a: {  	_ =	shalt  }
0x4b: {  	_ =	shalt  }
0x4c: {  	_ =	shalt  }
0x4d: {  	_ =	shalt  }
0x4e: {  	_ =	shalt  }
0x4f: {  	_ =	shalt  }
0x50: {  	_ =	shalt  }
0x51: {  	_ =	shalt  }
0x52: {  	_ =	shalt  }
0x53: {  	_ =	shalt  }
0x54: {  	_ =	shalt  }
0x55: {  	_ =	shalt  }
0x56: {  	_ =	shalt  }
0x57: {  	_ =	shalt  }
0x58: {  	_ =	shalt  }
0x59: {  	_ =	shalt  }
0x5a: {  	_ =	shalt  }
0x5b: {  	_ =	shalt  }
0x5c: {  	_ =	shalt  }
0x5d: {  	_ =	shalt  }
0x5e: {  	_ =	shalt  }
0x5f: {  	_ =	shalt  }
0x60: {  	_ =	shalt  }
0x61: {  	_ =	shalt  }
0x62: {  	_ =	shalt  }
0x63: {  	_ =	shalt  }
0x64: {  	_ =	shalt  }
0x65: {  	_ =	shalt  }
0x66: {  	_ =	shalt  }
0x67: {  	_ =	shalt  }
0x68: {  	_ =	shalt  }
0x69: {  	_ =	shalt  }
0x6a: {  	_ =	shalt  }
0x6b: {  	_ =	shalt  }
0x6c: {  	_ =	shalt  }
0x6d: {  	_ =	shalt  }
0x6e: {  	_ =	shalt  }
0x6f: {  	_ =	shalt  }
0x70: {  	_ =	shalt  }
0x71: {  	_ =	shalt  }
0x72: {  	_ =	shalt  }
0x73: {  	_ =	shalt  }
0x74: {  	_ =	shalt  }
0x75: {  	_ =	shalt  }
0x76: {  	_ =	shalt  }
0x77: {  	_ =	shalt  }
0x78: {  	_ =	shalt  }
0x79: {  	_ =	shalt  }
0x7a: {  	_ =	shalt  }
0x7b: {  	_ =	shalt  }
0x7c: {  	_ =	shalt  }
0x7d: {  	_ =	shalt  }
0x7e: {  	_ =	shalt  }
0x7f: {  	_ =	shalt  }
0x80: {  	_ =	shalt  }
0x81: {  	_ =	shalt  }
0x82: {  	_ =	shalt  }
0x83: {  	_ =	shalt  }
0x84: {  	_ =	shalt  }
0x85: {  	_ =	shalt  }
0x86: {  	_ =	shalt  }
0x87: {  	_ =	shalt  }
.Lfunc_end0:
.L_simem_size_0:
called_computation.2_lowered:
.L_overlay_start_0:
0x88: {  	s2 =	sld [smem:$0x3FD9]  }
0x89: {  	s3 =	sld [smem:$0x3FFE];
	_ =	sdelay $0x1  }
0x8a: {  	s1 =	srdreg.scid  }
0x8b: {  	s0 =	sand.u32 $0x1, s1  }
0x8c: {  	s17 =	sshll.u32 s0, $0xA;
	s2 =	sadd.s32 s3, s2  }
0x8d: {  	s2 =	sadd.s32 s2, s17  }
0x8e: {  	[smem:$0x3FB9] =	sst s2  }
0x8f: {  	_ = 	snop  }
0x90: {  	s2 =	sld [smem:$0x3FD0];
	(tm) =	ssettm $0x1  }
0x91: {  	s18 =	sld [smem:$0x3FFB];
	_ =	sdelay $0x3  }
0x92: {  	_ =	strace s18  }
0x93: {  	s3 =	sld [smem:$0x3FFC];
	_ =	sdelay $0x3  }
0x94: {  	_ =	strace s3  }
0x95: {  	s3 =	sld [smem:$0x3FFD];
	_ =	sdelay $0x3  }
0x96: {  	_ =	strace s3  }
0x97: {  	_ =	strace $0x8FFFFFFF  }
0x98: {  	s19 =	sld [smem:$0x3FDB];
	_ =	sdelay $0x1  }
0x99: {  	s4 =	simm.s32 $_scs_section_size  }
0x9a: {  	s5 =	simm.s32 $_size__tile_overlayer_lowered;
	s6 =	simm.s32 $_tile_overlayer_lowered  }
0x9b: {  	s22 =	simm.s32 $0x1BFF;
	s21 =	sshll.u32 s6, $0x1;
	s3 =	sadd.s32 s4, s19  }
0x9c: {  	s7 =	simm.s32 $0x0;
	s20 =	sshll.u32 s5, $0x1;
	s5 =	sadd.s32 s21, s3  }
0x9d: {  	[timem:s7], [sflag:s22] =	dma.local [hbm:s5], s20  }
0x9e: {  	_ =	swait.ge [sflag:s22], s20  }
0x9f: {  	s4 =	ssub.s32 $0x0, s20;
	[sflag:s22] =	ssyncset.done $0x0  }
0xa0: {  	[sflag:s22] =	ssyncadd.s32 s4;
	_ =	sdelay $0x1  }
0xa1: {  	s23 =	simm.s32 $0x1B8B  }
0xa2: {  	_ =	swait.ge [sflag:s23], $0x1  }
0xa3: {  	[sflag:s23] =	ssyncset.done $0x0  }
0xa4: {  	s25 =	simm.s32 $0x1B8E;
	s24 =	sld [smem:$0x3FFE];
	[sflag:s23] =	ssyncadd.s32 $0xFFFFFFFF  }
0xa5: {  	s26 =	simm.s32 $execute0_lowered;
	[smem:$0x3FD2] =	sst s25  }
0xa6: {  	s5 =	sshll.u32 s26, $0x1;
	_ =	strace $0x8000004C;
	[dreg:$0x1] =	wrdreg $0xFFFFFFFF  }
0xa7: {  	s28 =	simm.s32 $_size_execute0_lowered;
	s3 =	sadd.s32 s3, s5;
	[dreg:$0x0] =	wrdreg $0x0  }
0xa8: {  	s5 =	sshll.u32 s28, $0x1;
	[dreg:$0x2] =	wrdreg s3  }
0xa9: {  	[dreg:$0x3] =	wrdreg s5  }
0xaa: {  	[dreg:$0x4] =	wrdreg $0xC0  }
0xab: {  	_ =	task [dreg:s7], $0x5FFFF  }
0xac: {  	[dreg:$0x1] =	wrdreg $0xFFFFFFFF  }
0xad: {  	[dreg:$0x0] =	wrdreg $0x60  }
0xae: {  	[dreg:$0x2] =	wrdreg s24  }
0xaf: {  	[dreg:$0x3] =	wrdreg s2  }
0xb0: {  	[dreg:$0x4] =	wrdreg $0x90800  }
0xb1: {  	[dreg:$0x5] =	wrdreg $0x9  }
0xb2: {  	_ =	task.clear_ibuf [dreg:s7], $0x6FFFF;
	_ =	strace $0x9000004C  }
0xb3: {  	s29 =	simm.s32 $0x9;
	_ =	strace $0x8000004E  }
0xb4: {  	_ =	swait.ge [sflag:s29], $0x1  }
0xb5: {  	[sflag:s29] =	ssyncadd.s32 $0xFFFFFFFF  }
0xb6: {  	_ =	strace $0x9000004E  }
0xb7: {  	_ =	sfence  }
0xb8: {  	s30 =	sld [smem:$0x0];
	_ =	sdelay $0x2  }
0xb9: {  	s31 =	sshll.u32 s1, $0xD;
	s1 =	sshrl.u32 s1, $0x2  }
0xba: {  	s3 =	sand.u32 $0x4000, s31;
	s1 =	sadd.s32 s1, s30  }
0xbb: {  	s0 =	sor.u32 s3, s0;
	s1 =	sshll.u32 s1, $0x11  }
0xbc: {  	s0 =	sor.u32 s1, s0  }
0xbd: {  	s0 =	sadd.s32 $0x8F2B, s0  }
0xbe: {  	[sflag:s0] =	ssyncadd.remote.s32 $0x1  }
0xbf: {  	_ =	sfence.sel $0xFFFF  }
0xc0: {  	[dreg:$0x0] =	wrdreg $0xFFFFFFFF;
	(pc) =	sbr.abs _section_cstart, $3  }
0xc1: {  	[dreg:$0x1] =	wrdreg $0xFFFFFFFF  }
0xc2: {  	_ =	task.clear_ibuf [dreg:s7], $0x2FFFF;
	_ =	strace $0x9FFFFFFF  }
0xc3: {  	(tm) =	ssettm $0x7FFFFFFF  }
tec
execute0_lowered:
.L_overlay_start_1:
0x0: {  	(tag) =	ssettag $0x1  }
0x1: {  	s7 =	rddreg [dreg:$0x0]  }
0x2: {  	s0 =	srdreg.scid;
	s13 =	rddreg [dreg:$0x1]  }
0x3: {  	s2 =	rddreg [dreg:$0x2];
	s3 =	simm.s32 $0x0;
	s17 =	simm.s32 $0x2  }
0x4: {  	s18 =	simm.s32 $0x9000;
	s19 =	simm.s32 $0x2800;
	s20 =	simm.s32 $0x80  }
0x5: {  	s21 =	simm.s32 $0x1;
	s8 =	sand.u32 $0x1, s0;
	s0 =	stileid.u32  }
0x6: {  	s24 =	simm.s32 $0x0;
	[smem:$0x7FF] =	sst s3;
	s9 =	smul.u32 $0x2800, s0  }
0x7: {  	s5 =	sadd.s32 $0xDFC00, s7;
	s6 =	sadd.s32 $0xE0400, s7;
	s10 =	smul.u32 $0x28000, s8  }
0x8: {  	s1 =	sshll.u32 s8, $0x4;
	s11 =	smul.u32 $0x50000, s0;
	s8 =	ssub.s32 $0x2, s8  }
0x9: {  	s22 =	sshll.u32 s0, $0x6;
	s4 =	sor.u32 s0, s1;
	s1 =	rddreg [dreg:$0x3]  }
0xa: {  	_ =	strace $0x8000004D;
	s31 =	sshrl.u32 s8, $0x1;
	s22 =	sor.u32 $0x1C02, s22  }
0xb: {  	s14 =	smul.u32 $0x500, s4;
	s4 =	sadd.s32 $0x17C00, s7;
	s9 =	sadd.s32 s9, s10  }
0xc: {  	s11 =	sshrl.u32 s11, $0x2;
	s16 =	ssub.s32 s8, s31;
	s15 =	sadd.s32 s9, s7  }
0xd: {  	s12 =	sadd.s32 s14, s7;
	s7 =	sadd.s32 s11, s2;
	s13 =	sadd.s32 s13, s14  }
0xe: {  	s14 =	sadd.s32 $0xE0600, s15;
	s15 =	smax.u32 s16, $0x1;
	s16 =	simm.s32 $0x5000  }
0xf: {  	s8 =	sadd.s32 $0x4000, s7;
	s9 =	sadd.s32 $0x8000, s7;
	s10 =	sadd.s32 $0xC000, s7  }
0x10: {  	s11 =	sadd.s32 $0x10000, s7;
	s12 =	sadd.s32 $0xDC00, s12;
	s23 =	sshrl.u32 s7, $0x3  }
.LBB2_1:
0x11: {  	[tilespmem:s16], [sflag:$0x2] =	stream.linear.gather [hbm4b:s5+s3], $0x4000, $0x38;
	[tilespmem:$0x1D080] =	vst v63  }
0x12: {  	_ =	swait.ge [sflag:s17], $0x4000  }
0x13: {  	[sflag:s17] =	ssyncset.done $0x0  }
0x14: {  	[sflag:s17] =	ssyncadd.s32 $0xFFFFC000  }
0x15: {  	[tilespmem:s18], [sflag:$0x2] =	stream.linear.gather [hbm4b:s6+s3], $0x80, $0x38;
	[tilespmem:$0x1D080] =	vst v63  }
0x16: {  	_ =	swait.ge [sflag:s17], $0x80  }
0x17: {  	[sflag:s17] =	ssyncset.done $0x0  }
0x18: {  	[sflag:s17] =	ssyncadd.s32 $0xFFFFFF80  }
0x19: {  	[spmem:s7] =	stream.linear.scatter [tilespmem:s16], [sflag:$0x2], $0x4000, $0x38;
	[tilespmem:$0x1D080] =	vst v63  }
0x1a: {  	_ =	swait.ge [sflag:s17], $0x4000  }
0x1b: {  	[sflag:s17] =	ssyncset.done $0x0  }
0x1c: {  	[sflag:s17] =	ssyncadd.s32 $0xFFFFC000  }
0x1d: {  	[spmem:s8] =	stream.linear.scatter [tilespmem:s16], [sflag:$0x2], $0x4000, $0x38;
	[tilespmem:$0x1D080] =	vst v63  }
0x1e: {  	_ =	swait.ge [sflag:s17], $0x4000  }
0x1f: {  	[sflag:s17] =	ssyncset.done $0x0  }
0x20: {  	[sflag:s17] =	ssyncadd.s32 $0xFFFFC000  }
0x21: {  	[spmem:s9] =	stream.linear.scatter [tilespmem:s16], [sflag:$0x2], $0x4000, $0x38;
	[tilespmem:$0x1D080] =	vst v63  }
0x22: {  	_ =	swait.ge [sflag:s17], $0x4000  }
0x23: {  	[sflag:s17] =	ssyncset.done $0x0  }
0x24: {  	[sflag:s17] =	ssyncadd.s32 $0xFFFFC000  }
0x25: {  	[spmem:s10] =	stream.linear.scatter [tilespmem:s16], [sflag:$0x2], $0x4000, $0x38;
	[tilespmem:$0x1D080] =	vst v63  }
0x26: {  	_ =	swait.ge [sflag:s17], $0x4000  }
0x27: {  	[sflag:s17] =	ssyncset.done $0x0  }
0x28: {  	[sflag:s17] =	ssyncadd.s32 $0xFFFFC000  }
0x29: {  	[spmem:s11] =	stream.linear.scatter [tilespmem:s16], [sflag:$0x2], $0x4000, $0x38;
	[tilespmem:$0x1D080] =	vst v63  }
0x2a: {  	_ =	swait.ge [sflag:s17], $0x4000  }
0x2b: {  	[sflag:s17] =	ssyncset.done $0x0  }
0x2c: {  	[sflag:s17] =	ssyncadd.s32 $0xFFFFC000  }
0x2d: {  	[tilespmem:s3], [sflag:$0x2] =	stream.linear.gather [hbm4b:s12+s3], $0x2800, $0x38;
	[tilespmem:$0x1D080] =	vst v63  }
0x2e: {  	_ =	swait.ge [sflag:s17], $0x2800  }
0x2f: {  	[sflag:s17] =	ssyncset.done $0x0  }
0x30: {  	[sflag:s17] =	ssyncadd.s32 $0xFFFFD800  }
0x31: {  	[tilespmem:s19], [sflag:$0x2] =	stream.linear.gather [hbm4b:s13+s3], $0x2800, $0x38;
	[tilespmem:$0x1D080] =	vst v63  }
0x32: {  	_ =	swait.ge [sflag:s17], $0x2800  }
0x33: {  	[sflag:s17] =	ssyncset.done $0x0  }
0x34: {  	[sflag:s17] =	ssyncadd.s32 $0xFFFFD800  }
0x35: {  	s25 =	simm.s32 $0x0;
	[bflag:$0x0] =	sbarrier.arrive $0xFFFF  }
0x36: {  	[tilespmem:s16], [sflag:$0x1] =	stream.indirect.gather [hbm4b:s4+s20], $0x80, s25, s20, $0xb8;
	[tilespmem:$0x1D080] =	vst v63  }
0x37: {  	_ =	swait.ge [sflag:s21], $0x4000  }
0x38: {  	[sflag:s21] =	ssyncset.done $0x0  }
0x39: {  	s31 =	simm.s32 $0x2800;
	[sflag:s21] =	ssyncadd.s32 $0xFFFFC000  }
0x3a: {  	[spmem:s2] =	stream.indirect.scatter.add.f32 [tilespmem:s16], [sflag:$0x2], $0x80, s31, s20, $0xb8;
	[tilespmem:$0x1D080] =	vst v63  }
0x3b: {  	_ =	swait.ge [sflag:s17], $0x4000  }
0x3c: {  	s26 =	simm.s32 $0x400;
	s25 =	simm.s32 $0x200;
	[sflag:s17] =	ssyncset.done $0x0  }
.LBB2_2:
0x3d: {  	s28 =	sshra.s32 s25, $0x2  }
0x3e: {  	[sflag:s17] =	ssyncadd.s32 $0xFFFFC000;
	s25 =	smov.u32 s26;
	s29 =	sadd.s32 $0x200, s26  }
0x3f: {  	[tilespmem:s16], [sflag:$0x1] =	stream.indirect.gather [hbm4b:s4+s20], $0x80, s28, s20, $0xb8;
	[tilespmem:$0x1D080] =	vst v63  }
0x40: {  	p0 =	sne.s32 s26, $0x9E00;
	_ =	swait.ge [sflag:s21], $0x4000  }
.Ltmp0:
0x41: {  	[sflag:s21] =	ssyncset.done $0x0;
	(pc) =	sbr.rel @p0 .LBB2_2-.Ltmp0, $4  }
0x42: {  	s26 =	sadd.s32 $0x2800, s28;
	[sflag:s21] =	ssyncadd.s32 $0xFFFFC000  }
0x43: {  	[spmem:s2] =	stream.indirect.scatter.add.f32 [tilespmem:s16], [sflag:$0x2], $0x80, s26, s20, $0xb8;
	[tilespmem:$0x1D080] =	vst v63  }
0x44: {  	_ =	swait.ge [sflag:s17], $0x4000  }
0x45: {  	s26 =	smov.u32 s29;
	[sflag:s17] =	ssyncset.done $0x0  }
0x46: {  	s25 =	sshra.s32 s25, $0x2;
	[sflag:s17] =	ssyncadd.s32 $0xFFFFC000  }
0x47: {  	[tilespmem:s16], [sflag:$0x1] =	stream.indirect.gather [hbm4b:s4+s20], $0x80, s25, s20, $0xb8;
	[tilespmem:$0x1D080] =	vst v63  }
0x48: {  	_ =	swait.ge [sflag:s21], $0x4000  }
0x49: {  	[sflag:s21] =	ssyncset.done $0x0  }
0x4a: {  	s25 =	sadd.s32 $0x2800, s25;
	[sflag:s21] =	ssyncadd.s32 $0xFFFFC000  }
0x4b: {  	[spmem:s2] =	stream.indirect.scatter.add.f32 [tilespmem:s16], [sflag:$0x2], $0x80, s25, s20, $0xb8;
	[tilespmem:$0x1D080] =	vst v63  }
0x4c: {  	_ =	swait.ge [sflag:s17], $0x4000  }
0x4d: {  	s24 =	sadd.s32 $0x1, s24;
	[sflag:s17] =	ssyncset.done $0x0  }
0x4e: {  	p0 =	sne.s32 s24, s15;
	[sflag:s17] =	ssyncadd.s32 $0xFFFFC000  }
.Ltmp1:
0x4f: {  	[bflag:$0x0] =	sbarrier.arrive $0xFFFF;
	(pc) =	sbr.rel @p0 .LBB2_1-.Ltmp1, $4  }
0x50: {  	[hbm:s14], [sflag:s22] =	dma.local [spmem:s23], $0x2800  }
0x51: {  	_ =	swait.ge [sflag:s17], $0x2800  }
0x52: {  	[sflag:s17] =	ssyncset.done $0x0  }
0x53: {  	[sflag:s17] =	ssyncadd.s32 $0xFFFFD800  }
0x54: {  	_ =	sfence.sel $0x180000  }
0x55: {  	[bflag:$0x0] =	sbarrier.arrive $0xFFFF  }
0x56: {  	p0 =	sne.s32 s0, $0x0;
	_ =	strace $0x9000004D  }
0x57: {  	s0 =	sadd.s32 @!p0 $0x100000, s1;
	[bflag:$0x2] =	sbarrier.arrive $0xFFFF  }
0x58: {  	[sflag:s0] =	ssyncadd.tile.s32 @!p0 $0x1;
	_ =	shalt  }
.Lfunc_end2:
_tile_overlayer_lowered:
.L_overlay_start_2:
0x59: {  	(tag) =	ssettag $0x2  }
0x5a: {  	s0 =	rddreg [dreg:$0x0];
	s2 =	stileid.u32  }
0x5b: {  	s1 =	rddreg [dreg:$0x1];
	p0 =	sne.s32 s2, $0x0  }
0x5c: {  	s3 =	rddreg [dreg:$0x2];
	[bflag:$0x3] =	sbarrier.arrive $0xFFFF;
	s2 =	simm.s32 @!p0 $0x1C02  }
0x5d: {  	[timem:s3], [sflag:s2] =	dma.local @!p0 [hbm:s0], s1  }
0x5e: {  	s0 =	simm.s32 @!p0 $0x2  }
0x5f: {  	_ =	swait.ge @!p0 [sflag:s0], s1  }
0x60: {  	s1 =	ssub.s32 @!p0 $0x0, s1;
	[sflag:s0] =	ssyncset.done @!p0 $0x0  }
0x61: {  	[sflag:s0] =	ssyncadd.s32 @!p0 s1  }
0x62: {  	[bflag:$0x3] =	sbarrier.arrive $0xFFFF  }
0x63: {  	_ =	shalt  }

// kernel: kernel.24.cloned.1.call-start
scs
__scs_entry_jumppad:
0x0: {  	(pc) =	sbr.rel $0x88, $3  }
0x1: {  	(tag) =	ssettag $0x0;
	lr =	simm.s32 $0x1  }
0x2: {  	[smem:$0x3F92] =	sst lr;
	_ =	strace $0xD0000000  }
0x3: {  	_ = 	snop  }
0x4: {  	_ = 	snop  }
0x5: {  	_ = 	snop  }
0x6: {  	_ = 	snop  }
0x7: {  	_ = 	snop  }
__scs_overlays_trampoline_lowered:
0x8: {  	[smem:$0x3FA1] =	sst s0  }
0x9: {  	[smem:$0x3FA2] =	sst s1  }
0xa: {  	[smem:$0x3FA3] =	sst s2  }
0xb: {  	[smem:$0x3FA4] =	sst s3  }
0xc: {  	[smem:$0x3FA5] =	sst s4  }
0xd: {  	[smem:$0x3FA6] =	sst s5  }
0xe: {  	[smem:$0x3FA7] =	sst s6  }
0xf: {  	[smem:$0x3FA8] =	sst s7  }
0x10: {  	[smem:$0x3FA9] =	sst s8  }
0x11: {  	[smem:$0x3FAA] =	sst s9;
	s0 =	simm.s32 @!p0 $0x0  }
0x12: {  	s1 =	sld [smem:$0x3F90];
	s0 =	simm.s32 @p0 $0x1  }
0x13: {  	[smem:$0x3FAB] =	sst s0;
	s0 =	simm.s32 @!p1 $0x0  }
0x14: {  	s2 =	sld [smem:$0x3F8F];
	s0 =	simm.s32 @p1 $0x1  }
0x15: {  	[smem:$0x3FAC] =	sst s0;
	s0 =	simm.s32 @!p2 $0x0  }
0x16: {  	s3 =	sld [smem:$0x3FDB];
	s0 =	simm.s32 @p2 $0x1  }
0x17: {  	s4 =	simm.s32 $0x1BF5;
	[smem:$0x3FAE] =	sst s0  }
0x18: {  	s0 =	sld [smem:$0x3F91];
	_ =	swait.ge [sflag:s4], $0x0  }
0x19: {  	s7 =	sld [smem:$0x3F92]  }
0x1a: {  	s8 =	sadd.s32 $0xFFFFE003, lr  }
0x1b: {  	s9 =	sadd.s32 $0xFFFFFEF7, lr;
	s5 =	simm.s32 $0xFFFFFFFF;
	p2 =	slt.u32 s8, $0xFFFFF086  }
0x1c: {  	p1 =	slt.u32 s9, $0xF7A;
	s5 =	simm.s32 @!p2 $0x0  }
0x1d: {  	s5 =	simm.s32 @p1 $0x1;
	p0 =	seq.s32 s7, s2  }
0x1e: {  	s7 =	smul.u32 @!p0 $0xF7A, s2;
	p2 =	seq.s32 @!p0 s5, $0x0  }
0x1f: {  	s9 =	smul.u32 $0xF7A, s1;
	s8 =	simm.s32 @!p0 $0x1BF5;
	p2 =	por !p2, p0  }
0x20: {  	[sflag:s8] =	ssyncset.s32 @!p0 $0xFFFFF086;
	s6 =	sadd.s32 @!p0 s3, s7;
	s7 =	simm.s32 @!p0 $0x108  }
0x21: {  	s3 =	sadd.s32 s3, s9;
	s6 =	sadd.s32 @!p0 $0x88, s6;
	s7 =	simm.s32 @p2 $0x1082  }
0x22: {  	[simem:s7], [sflag:s8] =	dma.local @!p0 [hbm:s6], $0xF7A  }
0x23: {  	s9 =	sor.u32 $0xD0000000, s2;
	s6 =	simm.s32 $0x108;
	_ =	swait.ge @!p0 [sflag:s8], $0x0  }
0x24: {  	s3 =	sadd.s32 $0x88, s3;
	s6 =	simm.s32 @!p1 $0x1082;
	[sflag:s4] =	ssyncset.s32 $0xFFFFF086  }
0x25: {  	[simem:s6], [sflag:s4] =	dma.local [hbm:s3], $0xF7A  }
0x26: {  	[smem:$0x3F92] =	sst s1;
	(tag) =	ssettag s2;
	_ =	strace s9  }
0x27: {  	s1 =	sld [smem:$0x3FA2]  }
0x28: {  	s2 =	sld [smem:$0x3FA3]  }
0x29: {  	s4 =	sld [smem:$0x3FA5]  }
0x2a: {  	p0 =	seq.s32 s5, $0x0;
	s5 =	sld [smem:$0x3FA6]  }
0x2b: {  	s6 =	sld [smem:$0x3FA7]  }
0x2c: {  	s7 =	sld [smem:$0x3FA8]  }
0x2d: {  	s3 =	simm.s32 $0x108;
	s8 =	sld [smem:$0x3FA9]  }
0x2e: {  	s3 =	simm.s32 @!p0 $0x1082;
	s9 =	sld [smem:$0x3FAA]  }
0x2f: {  	lr =	sadd.s32 s0, s3;
	s0 =	sld [smem:$0x3FA1]  }
0x30: {  	s3 =	sld [smem:$0x3FA4]  }
0x31: {  	[smem:$0x3FAD] =	sst s10  }
0x32: {  	s10 =	sld [smem:$0x3FAB];
	_ =	sdelay $0x3  }
0x33: {  	p0 =	seq.s32 s10, $0x1;
	s10 =	sld [smem:$0x3FAD];
	_ =	sdelay $0x3  }
0x34: {  	[smem:$0x3FAD] =	sst s10  }
0x35: {  	s10 =	sld [smem:$0x3FAC];
	_ =	sdelay $0x3  }
0x36: {  	p1 =	seq.s32 s10, $0x1;
	s10 =	sld [smem:$0x3FAD];
	_ =	sdelay $0x3  }
0x37: {  	[smem:$0x3FAD] =	sst s10  }
0x38: {  	s10 =	sld [smem:$0x3FAE]  }
0x39: {  	_ = 	snop;
	(pc) =	sbr.ind lr, $3  }
0x3a: {  	_ = 	snop  }
0x3b: {  	_ = 	snop  }
0x3c: {  	p2 =	seq.s32 s10, $0x1;
	s10 =	sld [smem:$0x3FAD]  }
0x3d: {  	_ =	shalt  }
0x3e: {  	_ =	shalt  }
0x3f: {  	_ =	shalt  }
0x40: {  	_ =	shalt  }
0x41: {  	_ =	shalt  }
0x42: {  	_ =	shalt  }
0x43: {  	_ =	shalt  }
0x44: {  	_ =	shalt  }
0x45: {  	_ =	shalt  }
0x46: {  	_ =	shalt  }
0x47: {  	_ =	shalt  }
0x48: {  	_ =	shalt  }
0x49: {  	_ =	shalt  }
0x4a: {  	_ =	shalt  }
0x4b: {  	_ =	shalt  }
0x4c: {  	_ =	shalt  }
0x4d: {  	_ =	shalt  }
0x4e: {  	_ =	shalt  }
0x4f: {  	_ =	shalt  }
0x50: {  	_ =	shalt  }
0x51: {  	_ =	shalt  }
0x52: {  	_ =	shalt  }
0x53: {  	_ =	shalt  }
0x54: {  	_ =	shalt  }
0x55: {  	_ =	shalt  }
0x56: {  	_ =	shalt  }
0x57: {  	_ =	shalt  }
0x58: {  	_ =	shalt  }
0x59: {  	_ =	shalt  }
0x5a: {  	_ =	shalt  }
0x5b: {  	_ =	shalt  }
0x5c: {  	_ =	shalt  }
0x5d: {  	_ =	shalt  }
0x5e: {  	_ =	shalt  }
0x5f: {  	_ =	shalt  }
0x60: {  	_ =	shalt  }
0x61: {  	_ =	shalt  }
0x62: {  	_ =	shalt  }
0x63: {  	_ =	shalt  }
0x64: {  	_ =	shalt  }
0x65: {  	_ =	shalt  }
0x66: {  	_ =	shalt  }
0x67: {  	_ =	shalt  }
0x68: {  	_ =	shalt  }
0x69: {  	_ =	shalt  }
0x6a: {  	_ =	shalt  }
0x6b: {  	_ =	shalt  }
0x6c: {  	_ =	shalt  }
0x6d: {  	_ =	shalt  }
0x6e: {  	_ =	shalt  }
0x6f: {  	_ =	shalt  }
0x70: {  	_ =	shalt  }
0x71: {  	_ =	shalt  }
0x72: {  	_ =	shalt  }
0x73: {  	_ =	shalt  }
0x74: {  	_ =	shalt  }
0x75: {  	_ =	shalt  }
0x76: {  	_ =	shalt  }
0x77: {  	_ =	shalt  }
0x78: {  	_ =	shalt  }
0x79: {  	_ =	shalt  }
0x7a: {  	_ =	shalt  }
0x7b: {  	_ =	shalt  }
0x7c: {  	_ =	shalt  }
0x7d: {  	_ =	shalt  }
0x7e: {  	_ =	shalt  }
0x7f: {  	_ =	shalt  }
0x80: {  	_ =	shalt  }
0x81: {  	_ =	shalt  }
0x82: {  	_ =	shalt  }
0x83: {  	_ =	shalt  }
0x84: {  	_ =	shalt  }
0x85: {  	_ =	shalt  }
0x86: {  	_ =	shalt  }
0x87: {  	_ =	shalt  }
.Lfunc_end0:
.L_simem_size_0:
called_computation.3_lowered:
.L_overlay_start_0:
0x88: {  	s2 =	sld [smem:$0x3FD9]  }
0x89: {  	s3 =	sld [smem:$0x3FFE];
	_ =	sdelay $0x1  }
0x8a: {  	s1 =	srdreg.scid  }
0x8b: {  	s0 =	sand.u32 $0x1, s1  }
0x8c: {  	s17 =	sshll.u32 s0, $0xA;
	s2 =	sadd.s32 s3, s2  }
0x8d: {  	s2 =	sadd.s32 s2, s17  }
0x8e: {  	[smem:$0x3FB9] =	sst s2  }
0x8f: {  	_ = 	snop  }
0x90: {  	s2 =	sld [smem:$0x3FD0];
	(tm) =	ssettm $0x1  }
0x91: {  	s18 =	sld [smem:$0x3FFB];
	_ =	sdelay $0x3  }
0x92: {  	_ =	strace s18  }
0x93: {  	s3 =	sld [smem:$0x3FFC];
	_ =	sdelay $0x3  }
0x94: {  	_ =	strace s3  }
0x95: {  	s3 =	sld [smem:$0x3FFD];
	_ =	sdelay $0x3  }
0x96: {  	_ =	strace s3  }
0x97: {  	_ =	strace $0x8FFFFFFF  }
0x98: {  	s19 =	sld [smem:$0x3FDB];
	_ =	sdelay $0x1  }
0x99: {  	s4 =	simm.s32 $_scs_section_size  }
0x9a: {  	s5 =	simm.s32 $_size__tile_overlayer_lowered;
	s6 =	simm.s32 $_tile_overlayer_lowered  }
0x9b: {  	s22 =	simm.s32 $0x1BFF;
	s21 =	sshll.u32 s6, $0x1;
	s3 =	sadd.s32 s4, s19  }
0x9c: {  	s7 =	simm.s32 $0x0;
	s20 =	sshll.u32 s5, $0x1;
	s5 =	sadd.s32 s21, s3  }
0x9d: {  	[timem:s7], [sflag:s22] =	dma.local [hbm:s5], s20  }
0x9e: {  	_ =	swait.ge [sflag:s22], s20  }
0x9f: {  	s4 =	ssub.s32 $0x0, s20;
	[sflag:s22] =	ssyncset.done $0x0  }
0xa0: {  	[sflag:s22] =	ssyncadd.s32 s4;
	_ =	sdelay $0x1  }
0xa1: {  	s23 =	simm.s32 $0x1B8B  }
0xa2: {  	_ =	swait.ge [sflag:s23], $0x1  }
0xa3: {  	[sflag:s23] =	ssyncset.done $0x0  }
0xa4: {  	s25 =	simm.s32 $0x1B8E;
	s24 =	sld [smem:$0x3FFE];
	[sflag:s23] =	ssyncadd.s32 $0xFFFFFFFF  }
0xa5: {  	s26 =	simm.s32 $execute0_lowered;
	[smem:$0x3FD2] =	sst s25  }
0xa6: {  	s5 =	sshll.u32 s26, $0x1;
	_ =	strace $0x8000004F;
	[dreg:$0x1] =	wrdreg $0xFFFFFFFF  }
0xa7: {  	s28 =	simm.s32 $_size_execute0_lowered;
	s3 =	sadd.s32 s3, s5;
	[dreg:$0x0] =	wrdreg $0x0  }
0xa8: {  	s5 =	sshll.u32 s28, $0x1;
	[dreg:$0x2] =	wrdreg s3  }
0xa9: {  	[dreg:$0x3] =	wrdreg s5  }
0xaa: {  	[dreg:$0x4] =	wrdreg $0xC0  }
0xab: {  	_ =	task [dreg:s7], $0x5FFFF  }
0xac: {  	[dreg:$0x1] =	wrdreg $0xFFFFFFFF  }
0xad: {  	[dreg:$0x0] =	wrdreg $0x60  }
0xae: {  	[dreg:$0x2] =	wrdreg s24  }
0xaf: {  	[dreg:$0x3] =	wrdreg s2  }
0xb0: {  	[dreg:$0x4] =	wrdreg $0x90800  }
0xb1: {  	[dreg:$0x5] =	wrdreg $0x9  }
0xb2: {  	_ =	task.clear_ibuf [dreg:s7], $0x6FFFF;
	_ =	strace $0x9000004F  }
0xb3: {  	s29 =	simm.s32 $0x9;
	_ =	strace $0x80000051  }
0xb4: {  	_ =	swait.ge [sflag:s29], $0x1  }
0xb5: {  	[sflag:s29] =	ssyncadd.s32 $0xFFFFFFFF  }
0xb6: {  	_ =	strace $0x90000051  }
0xb7: {  	_ =	sfence  }
0xb8: {  	s30 =	sld [smem:$0x0];
	_ =	sdelay $0x2  }
0xb9: {  	s31 =	sshll.u32 s1, $0xD;
	s1 =	sshrl.u32 s1, $0x2  }
0xba: {  	s3 =	sand.u32 $0x4000, s31;
	s1 =	sadd.s32 s1, s30  }
0xbb: {  	s0 =	sor.u32 s3, s0;
	s1 =	sshll.u32 s1, $0x11  }
0xbc: {  	s0 =	sor.u32 s1, s0  }
0xbd: {  	s0 =	sadd.s32 $0x8F2B, s0  }
0xbe: {  	[sflag:s0] =	ssyncadd.remote.s32 $0x1  }
0xbf: {  	_ =	sfence.sel $0xFFFF  }
0xc0: {  	[dreg:$0x0] =	wrdreg $0xFFFFFFFF;
	(pc) =	sbr.abs _section_cstart, $3  }
0xc1: {  	[dreg:$0x1] =	wrdreg $0xFFFFFFFF  }
0xc2: {  	_ =	task.clear_ibuf [dreg:s7], $0x2FFFF;
	_ =	strace $0x9FFFFFFF  }
0xc3: {  	(tm) =	ssettm $0x7FFFFFFF  }
tec
execute0_lowered:
.L_overlay_start_1:
0x0: {  	(tag) =	ssettag $0x1  }
0x1: {  	s7 =	rddreg [dreg:$0x0]  }
0x2: {  	s0 =	srdreg.scid;
	s13 =	rddreg [dreg:$0x1]  }
0x3: {  	s2 =	rddreg [dreg:$0x2];
	s3 =	simm.s32 $0x0;
	s17 =	simm.s32 $0x2  }
0x4: {  	s18 =	simm.s32 $0x9000;
	s19 =	simm.s32 $0x2800;
	s20 =	simm.s32 $0x80  }
0x5: {  	s21 =	simm.s32 $0x1;
	s8 =	sand.u32 $0x1, s0;
	s0 =	stileid.u32  }
0x6: {  	s24 =	simm.s32 $0x0;
	[smem:$0x7FF] =	sst s3;
	s9 =	smul.u32 $0x2800, s0  }
0x7: {  	s5 =	sadd.s32 $0xDFC00, s7;
	s6 =	sadd.s32 $0xE0400, s7;
	s10 =	smul.u32 $0x28000, s8  }
0x8: {  	s1 =	sshll.u32 s8, $0x4;
	s11 =	smul.u32 $0x50000, s0;
	s8 =	ssub.s32 $0x2, s8  }
0x9: {  	s22 =	sshll.u32 s0, $0x6;
	s4 =	sor.u32 s0, s1;
	s1 =	rddreg [dreg:$0x3]  }
0xa: {  	_ =	strace $0x80000050;
	s31 =	sshrl.u32 s8, $0x1;
	s22 =	sor.u32 $0x1C02, s22  }
0xb: {  	s14 =	smul.u32 $0x500, s4;
	s4 =	sadd.s32 $0xDC00, s7;
	s9 =	sadd.s32 s9, s10  }
0xc: {  	s11 =	sshrl.u32 s11, $0x2;
	s16 =	ssub.s32 s8, s31;
	s15 =	sadd.s32 s9, s7  }
0xd: {  	s12 =	sadd.s32 s14, s7;
	s7 =	sadd.s32 s11, s2;
	s13 =	sadd.s32 s13, s14  }
0xe: {  	s14 =	sadd.s32 $0x35C00, s15;
	s15 =	smax.u32 s16, $0x1;
	s16 =	simm.s32 $0x5000  }
0xf: {  	s8 =	sadd.s32 $0x4000, s7;
	s9 =	sadd.s32 $0x8000, s7;
	s10 =	sadd.s32 $0xC000, s7  }
0x10: {  	s11 =	sadd.s32 $0x10000, s7;
	s12 =	sadd.s32 $0x3C00, s12;
	s23 =	sshrl.u32 s7, $0x3  }
.LBB2_1:
0x11: {  	[tilespmem:s16], [sflag:$0x2] =	stream.linear.gather [hbm4b:s5+s3], $0x4000, $0x38;
	[tilespmem:$0x1D080] =	vst v63  }
0x12: {  	_ =	swait.ge [sflag:s17], $0x4000  }
0x13: {  	[sflag:s17] =	ssyncset.done $0x0  }
0x14: {  	[sflag:s17] =	ssyncadd.s32 $0xFFFFC000  }
0x15: {  	[tilespmem:s18], [sflag:$0x2] =	stream.linear.gather [hbm4b:s6+s3], $0x80, $0x38;
	[tilespmem:$0x1D080] =	vst v63  }
0x16: {  	_ =	swait.ge [sflag:s17], $0x80  }
0x17: {  	[sflag:s17] =	ssyncset.done $0x0  }
0x18: {  	[sflag:s17] =	ssyncadd.s32 $0xFFFFFF80  }
0x19: {  	[spmem:s7] =	stream.linear.scatter [tilespmem:s16], [sflag:$0x2], $0x4000, $0x38;
	[tilespmem:$0x1D080] =	vst v63  }
0x1a: {  	_ =	swait.ge [sflag:s17], $0x4000  }
0x1b: {  	[sflag:s17] =	ssyncset.done $0x0  }
0x1c: {  	[sflag:s17] =	ssyncadd.s32 $0xFFFFC000  }
0x1d: {  	[spmem:s8] =	stream.linear.scatter [tilespmem:s16], [sflag:$0x2], $0x4000, $0x38;
	[tilespmem:$0x1D080] =	vst v63  }
0x1e: {  	_ =	swait.ge [sflag:s17], $0x4000  }
0x1f: {  	[sflag:s17] =	ssyncset.done $0x0  }
0x20: {  	[sflag:s17] =	ssyncadd.s32 $0xFFFFC000  }
0x21: {  	[spmem:s9] =	stream.linear.scatter [tilespmem:s16], [sflag:$0x2], $0x4000, $0x38;
	[tilespmem:$0x1D080] =	vst v63  }
0x22: {  	_ =	swait.ge [sflag:s17], $0x4000  }
0x23: {  	[sflag:s17] =	ssyncset.done $0x0  }
0x24: {  	[sflag:s17] =	ssyncadd.s32 $0xFFFFC000  }
0x25: {  	[spmem:s10] =	stream.linear.scatter [tilespmem:s16], [sflag:$0x2], $0x4000, $0x38;
	[tilespmem:$0x1D080] =	vst v63  }
0x26: {  	_ =	swait.ge [sflag:s17], $0x4000  }
0x27: {  	[sflag:s17] =	ssyncset.done $0x0  }
0x28: {  	[sflag:s17] =	ssyncadd.s32 $0xFFFFC000  }
0x29: {  	[spmem:s11] =	stream.linear.scatter [tilespmem:s16], [sflag:$0x2], $0x4000, $0x38;
	[tilespmem:$0x1D080] =	vst v63  }
0x2a: {  	_ =	swait.ge [sflag:s17], $0x4000  }
0x2b: {  	[sflag:s17] =	ssyncset.done $0x0  }
0x2c: {  	[sflag:s17] =	ssyncadd.s32 $0xFFFFC000  }
0x2d: {  	[tilespmem:s3], [sflag:$0x2] =	stream.linear.gather [hbm4b:s12+s3], $0x2800, $0x38;
	[tilespmem:$0x1D080] =	vst v63  }
0x2e: {  	_ =	swait.ge [sflag:s17], $0x2800  }
0x2f: {  	[sflag:s17] =	ssyncset.done $0x0  }
0x30: {  	[sflag:s17] =	ssyncadd.s32 $0xFFFFD800  }
0x31: {  	[tilespmem:s19], [sflag:$0x2] =	stream.linear.gather [hbm4b:s13+s3], $0x2800, $0x38;
	[tilespmem:$0x1D080] =	vst v63  }
0x32: {  	_ =	swait.ge [sflag:s17], $0x2800  }
0x33: {  	[sflag:s17] =	ssyncset.done $0x0  }
0x34: {  	[sflag:s17] =	ssyncadd.s32 $0xFFFFD800  }
0x35: {  	s25 =	simm.s32 $0x0;
	[bflag:$0x0] =	sbarrier.arrive $0xFFFF  }
0x36: {  	[tilespmem:s16], [sflag:$0x1] =	stream.indirect.gather [hbm4b:s4+s20], $0x80, s25, s20, $0xb8;
	[tilespmem:$0x1D080] =	vst v63  }
0x37: {  	_ =	swait.ge [sflag:s21], $0x4000  }
0x38: {  	[sflag:s21] =	ssyncset.done $0x0  }
0x39: {  	s31 =	simm.s32 $0x2800;
	[sflag:s21] =	ssyncadd.s32 $0xFFFFC000  }
0x3a: {  	[spmem:s2] =	stream.indirect.scatter.add.f32 [tilespmem:s16], [sflag:$0x2], $0x80, s31, s20, $0xb8;
	[tilespmem:$0x1D080] =	vst v63  }
0x3b: {  	_ =	swait.ge [sflag:s17], $0x4000  }
0x3c: {  	s26 =	simm.s32 $0x400;
	s25 =	simm.s32 $0x200;
	[sflag:s17] =	ssyncset.done $0x0  }
.LBB2_2:
0x3d: {  	s28 =	sshra.s32 s25, $0x2  }
0x3e: {  	[sflag:s17] =	ssyncadd.s32 $0xFFFFC000;
	s25 =	smov.u32 s26;
	s29 =	sadd.s32 $0x200, s26  }
0x3f: {  	[tilespmem:s16], [sflag:$0x1] =	stream.indirect.gather [hbm4b:s4+s20], $0x80, s28, s20, $0xb8;
	[tilespmem:$0x1D080] =	vst v63  }
0x40: {  	p0 =	sne.s32 s26, $0x9E00;
	_ =	swait.ge [sflag:s21], $0x4000  }
.Ltmp0:
0x41: {  	[sflag:s21] =	ssyncset.done $0x0;
	(pc) =	sbr.rel @p0 .LBB2_2-.Ltmp0, $4  }
0x42: {  	s26 =	sadd.s32 $0x2800, s28;
	[sflag:s21] =	ssyncadd.s32 $0xFFFFC000  }
0x43: {  	[spmem:s2] =	stream.indirect.scatter.add.f32 [tilespmem:s16], [sflag:$0x2], $0x80, s26, s20, $0xb8;
	[tilespmem:$0x1D080] =	vst v63  }
0x44: {  	_ =	swait.ge [sflag:s17], $0x4000  }
0x45: {  	s26 =	smov.u32 s29;
	[sflag:s17] =	ssyncset.done $0x0  }
0x46: {  	s25 =	sshra.s32 s25, $0x2;
	[sflag:s17] =	ssyncadd.s32 $0xFFFFC000  }
0x47: {  	[tilespmem:s16], [sflag:$0x1] =	stream.indirect.gather [hbm4b:s4+s20], $0x80, s25, s20, $0xb8;
	[tilespmem:$0x1D080] =	vst v63  }
0x48: {  	_ =	swait.ge [sflag:s21], $0x4000  }
0x49: {  	[sflag:s21] =	ssyncset.done $0x0  }
0x4a: {  	s25 =	sadd.s32 $0x2800, s25;
	[sflag:s21] =	ssyncadd.s32 $0xFFFFC000  }
0x4b: {  	[spmem:s2] =	stream.indirect.scatter.add.f32 [tilespmem:s16], [sflag:$0x2], $0x80, s25, s20, $0xb8;
	[tilespmem:$0x1D080] =	vst v63  }
0x4c: {  	_ =	swait.ge [sflag:s17], $0x4000  }
0x4d: {  	s24 =	sadd.s32 $0x1, s24;
	[sflag:s17] =	ssyncset.done $0x0  }
0x4e: {  	p0 =	sne.s32 s24, s15;
	[sflag:s17] =	ssyncadd.s32 $0xFFFFC000  }
.Ltmp1:
0x4f: {  	[bflag:$0x0] =	sbarrier.arrive $0xFFFF;
	(pc) =	sbr.rel @p0 .LBB2_1-.Ltmp1, $4  }
0x50: {  	[hbm:s14], [sflag:s22] =	dma.local [spmem:s23], $0x2800  }
0x51: {  	_ =	swait.ge [sflag:s17], $0x2800  }
0x52: {  	[sflag:s17] =	ssyncset.done $0x0  }
0x53: {  	[sflag:s17] =	ssyncadd.s32 $0xFFFFD800  }
0x54: {  	_ =	sfence.sel $0x180000  }
0x55: {  	[bflag:$0x0] =	sbarrier.arrive $0xFFFF  }
0x56: {  	p0 =	sne.s32 s0, $0x0;
	_ =	strace $0x90000050  }
0x57: {  	s0 =	sadd.s32 @!p0 $0x100000, s1;
	[bflag:$0x2] =	sbarrier.arrive $0xFFFF  }
0x58: {  	[sflag:s0] =	ssyncadd.tile.s32 @!p0 $0x1;
	_ =	shalt  }
.Lfunc_end2:
_tile_overlayer_lowered:
.L_overlay_start_2:
0x59: {  	(tag) =	ssettag $0x2  }
0x5a: {  	s0 =	rddreg [dreg:$0x0];
	s2 =	stileid.u32  }
0x5b: {  	s1 =	rddreg [dreg:$0x1];
	p0 =	sne.s32 s2, $0x0  }
0x5c: {  	s3 =	rddreg [dreg:$0x2];
	[bflag:$0x3] =	sbarrier.arrive $0xFFFF;
	s2 =	simm.s32 @!p0 $0x1C02  }
0x5d: {  	[timem:s3], [sflag:s2] =	dma.local @!p0 [hbm:s0], s1  }
0x5e: {  	s0 =	simm.s32 @!p0 $0x2  }
0x5f: {  	_ =	swait.ge @!p0 [sflag:s0], s1  }
0x60: {  	s1 =	ssub.s32 @!p0 $0x0, s1;
	[sflag:s0] =	ssyncset.done @!p0 $0x0  }
0x61: {  	[sflag:s0] =	ssyncadd.s32 @!p0 s1  }
0x62: {  	[bflag:$0x3] =	sbarrier.arrive $0xFFFF  }
0x63: {  	_ =	shalt  }

</sc_bundles>
